<compile_context>
chip_gen: v7x
topology: tpu7x:2x2x1
jax: 0.10.2.dev20260603
libtpu: 0.0.44.dev20260713+nightly
codegen_flags: <defaults>
</compile_context>

<pallas_src>
import functools

import jax
import jax.numpy as jnp
from jax import lax
from jax.experimental import pallas as pl
from jax.experimental.pallas import tpu as pltpu
from jax.experimental.pallas import tpu_sc as plsc

_SEP = 16
_EPS = 1e-12
_NW = 32


def _gather_rows(table, ids):
    nb = ids.shape[0] * ids.shape[1]
    d = table.shape[1]
    b_per_w = nb // _NW
    mesh = plsc.VectorSubcoreMesh(core_axis_name="c", subcore_axis_name="s")

    @functools.partial(
        pl.kernel,
        mesh=mesh,
        out_type=jax.ShapeDtypeStruct((nb, d), jnp.float32),
        scratch_types=[
            pltpu.VMEM((b_per_w,), jnp.int32),
            pltpu.VMEM((b_per_w, d), jnp.float32),
            pltpu.SemaphoreType.DMA,
        ],
        compiler_params=pltpu.CompilerParams(needs_layout_passes=False),
    )
    def k(table_hbm, idx_hbm, out_hbm, idx_v, rows_v, sem):
        wid = lax.axis_index("s") * 2 + lax.axis_index("c")
        base = wid * b_per_w
        l = idx_hbm.shape[1]
        pltpu.sync_copy(
            idx_hbm.at[base // l, pl.ds(base % l, b_per_w)], idx_v)
        lane = lax.iota(jnp.int32, 16)

        def fire(c):
            vals = idx_v[pl.ds(c * 16, 16)]
            return [pltpu.async_copy(
                table_hbm.at[pl.ds(jnp.sum(jnp.where(lane == j, vals, 0)), 1), :],
                rows_v.at[pl.ds(c * 16 + j, 1), :], sem)
                for j in range(16)]

        def chunk(c, carry):
            for cp in fire(c):
                cp.wait()
            return carry

        primed = fire(0)
        lax.fori_loop(1, b_per_w // 16, chunk, 0)
        for cp in primed:
            cp.wait()
        pltpu.sync_copy(rows_v, out_hbm.at[pl.ds(base, b_per_w)])

    return k(table, ids)


def _dense_body(gx_ref, mask_ref, ln1w_ref, ln1b_ref, fcw_ref, fcb_ref,
                ln2w_ref, ln2b_ref, pe_ref, out_ref):
    b, l = mask_ref.shape
    nseg = pe_ref.shape[0]
    x = gx_ref[...]
    u = jnp.mean(x, axis=1, keepdims=True)
    xc = x - u
    v = jnp.mean(xc * xc, axis=1, keepdims=True)
    h = xc * lax.rsqrt(v + _EPS) * ln1w_ref[...] + ln1b_ref[...]
    y = lax.dot_general(h, fcw_ref[...], (((1,), (1,)), ((), ())),
                        preferred_element_type=jnp.float32,
                        precision=lax.Precision.DEFAULT)
    y = jnp.maximum(y + fcb_ref[...], 0.0)
    u2 = jnp.mean(y, axis=1, keepdims=True)
    yc = y - u2
    v2 = jnp.mean(yc * yc, axis=1, keepdims=True)
    z = yc * lax.rsqrt(v2 + _EPS) * ln2w_ref[...] + ln2b_ref[...]
    row = lax.broadcasted_iota(jnp.int32, (nseg, l), 0)
    col = lax.broadcasted_iota(jnp.int32, (nseg, l), 1)
    base = (col // _SEP == row) & (col % _SEP != _SEP - 1)
    for i in range(b):
        keep = base & (mask_ref[pl.ds(i, 1), :] != 1)
        pool = jnp.where(keep, 1.0 / (_SEP - 1), 0.0)
        seg = lax.dot_general(pool, z[i * l:(i + 1) * l], (((1,), (0,)), ((), ())),
                              preferred_element_type=jnp.float32,
                              precision=lax.Precision.DEFAULT)
        out_ref[i] = seg + pe_ref[...]


def _dense(g2, mask2, ln1w, ln1b, fcw, fcb, ln2w, ln2b, pe, nseg):
    b, l = mask2.shape
    wvec = fcw.shape[1]
    hid = fcw.shape[0]
    return pl.pallas_call(
        _dense_body,
        grid=(1,),
        in_specs=[
            pl.BlockSpec((b * l, wvec), lambda i: (0, 0)),
            pl.BlockSpec((b, l), lambda i: (0, 0)),
            pl.BlockSpec((wvec,), lambda i: (0,)),
            pl.BlockSpec((wvec,), lambda i: (0,)),
            pl.BlockSpec((hid, wvec), lambda i: (0, 0)),
            pl.BlockSpec((hid,), lambda i: (0,)),
            pl.BlockSpec((hid,), lambda i: (0,)),
            pl.BlockSpec((hid,), lambda i: (0,)),
            pl.BlockSpec((nseg, hid), lambda i: (0, 0)),
        ],
        out_specs=pl.BlockSpec((b, nseg, hid), lambda i: (0, 0, 0)),
        out_shape=jax.ShapeDtypeStruct((b, nseg, hid), jnp.float32),
    )(g2, mask2, ln1w, ln1b, fcw, fcb, ln2w, ln2b, pe)


def kernel(ingr_input_ids, ingr_sep_masks, emb_table, ln1_w, ln1_b,
           fc_W, fc_b, ln2_w, ln2_b, pe):
    b, l = ingr_input_ids.shape
    nseg = l // _SEP
    ids = ingr_input_ids.astype(jnp.int32)
    gathered = _gather_rows(emb_table.astype(jnp.float32), ids)
    return _dense(
        gathered,
        ingr_sep_masks.astype(jnp.int32),
        ln1_w, ln1_b, fc_W, fc_b, ln2_w, ln2_b, pe, nseg,
    )

# --- scband reference (transcript-rebuilt; emitter-appended) ---
"""Pipeline reference for scband-bert-embeddings-ingredients-untied-84026740179009 (READ-ONLY COPY).

The authoritative reference and input builder live on the scoring server;
editing this copy changes nothing except your own understanding.
"""

import math
import jax, jax.numpy as jnp
import numpy as np

VOCAB = 30522
WVEC = 300
HID = 768
MAXPOS = 512
EPS = 1e-12
B = 8
L = 512
SEP_EVERY = 16  # sep token every 16 positions -> 32 ingredients per row, each segment length 16


def _make_pe(n_filters, max_len):
    pe = np.zeros((max_len, n_filters), dtype=np.float32)
    position = np.arange(0, max_len, dtype=np.float32)[:, None]
    div_term = np.exp(np.arange(0, n_filters, 2, dtype=np.float32) * -(math.log(10000.0) / n_filters))
    pe[:, 0::2] = np.sin(position * div_term)
    pe[:, 1::2] = np.cos(position * div_term)
    return jnp.asarray(pe)


def _layernorm(x, w, b, eps):
    u = x.mean(-1, keepdims=True)
    s = ((x - u) ** 2).mean(-1, keepdims=True)
    return w * ((x - u) / jnp.sqrt(s + eps)) + b


def setup_inputs(seed: int = 0):
    key = jax.random.key(seed)
    k1, k2, k3 = jax.random.split(key, 3)
    ingr_input_ids = jax.random.randint(k1, (B, L), 0, VOCAB)
    # periodic separator mask: guarantees every ingredient segment has >=1 non-sep token
    row_mask = ((jnp.arange(L) % SEP_EVERY) == (SEP_EVERY - 1)).astype(jnp.int32)
    ingr_sep_masks = jnp.tile(row_mask[None, :], (B, 1))
    emb_table = (jax.random.normal(k2, (VOCAB, WVEC), dtype=jnp.float32) * 0.02).at[0].set(0.0)  # padding_idx=0
    ln1_w = jnp.ones((WVEC,), dtype=jnp.float32)
    ln1_b = jnp.zeros((WVEC,), dtype=jnp.float32)
    fc_W = jax.random.normal(k3, (HID, WVEC), dtype=jnp.float32) * 0.02
    fc_b = jnp.zeros((HID,), dtype=jnp.float32)
    ln2_w = jnp.ones((HID,), dtype=jnp.float32)
    ln2_b = jnp.zeros((HID,), dtype=jnp.float32)
    pe = _make_pe(HID, MAXPOS)
    return {
        'ingr_input_ids': ingr_input_ids,
        'ingr_sep_masks': ingr_sep_masks,
        'emb_table': emb_table,
        'ln1_w': ln1_w, 'ln1_b': ln1_b,
        'fc_W': fc_W, 'fc_b': fc_b,
        'ln2_w': ln2_w, 'ln2_b': ln2_b,
        'pe': pe,
    }


def reference(ingr_input_ids, ingr_sep_masks, emb_table, ln1_w, ln1_b, fc_W, fc_b, ln2_w, ln2_b, pe):
    # word embeddings (gather) -> LayerNorm -> Dropout(eval: identity) -> Linear -> ReLU -> LayerNorm
    we = jnp.take(emb_table, ingr_input_ids, axis=0)
    h = _layernorm(we, ln1_w, ln1_b, EPS)
    h = h @ fc_W.T + fc_b
    h = jax.nn.relu(h)
    h = _layernorm(h, ln2_w, ln2_b, EPS)
    # IngredientPositionEncoding: per-segment mean between separator tokens.
    # Separators occur at a fixed period of SEP_EVERY, so segment structure is static:
    # each row has shape[1] // SEP_EVERY segments of length SEP_EVERY, with the sep
    # token as the last position of each segment.
    max_ingr = ingr_sep_masks.shape[1] // SEP_EVERY
    d = h.shape[-1]
    nb = h.shape[0]
    seg_mask = ingr_sep_masks.reshape(nb, max_ingr, SEP_EVERY)
    hr = h.reshape(nb, max_ingr, SEP_EVERY, d)
    hr = jnp.where((seg_mask == 1)[..., None], jnp.zeros((), dtype=h.dtype), hr)
    ingredient_vectors = hr[:, :, :SEP_EVERY - 1, :].mean(axis=2)
    return ingredient_vectors + pe[:max_ingr][None, :, :]

if __name__ == "__main__":
    import jax
    _d = setup_inputs()
    print(jax.jit(kernel)(*tuple(_d.values())))

</pallas_src>

<mosaic_0001>
#map = affine_map<(d0, d1) -> (0, 0)>
module attributes {stable_mosaic.version = 14 : i64} {
  func.func @k(%arg0: i32, %arg1: i32, %arg2: memref<30522x300xf32, #tpu.memory_space<hbm>>, %arg3: memref<8x512xi32, #tpu.memory_space<hbm>>, %arg4: memref<4096x300xf32, #tpu.memory_space<hbm>>, %arg5: memref<128xi32, #tpu.memory_space<vmem>>, %arg6: memref<128x300xf32, #tpu.memory_space<vmem>>, %arg7: memref<!tpu.dma_semaphore, #tpu.memory_space<semaphore_mem>>) attributes {dimension_semantics = [#tpu.dimension_semantics<core_parallel>, #tpu.dimension_semantics<subcore_parallel>], iteration_bounds = array<i64: 2, 16>, scalar_prefetch = 0 : i64, scratch_operands = 3 : i64, tpu.core_type = #tpu.core_type<sc_vector_subcore>, window_params = [{transform_indices = #map}, {transform_indices = #map}, {transform_indices = #map}]} {
    %mul3A = arith.constant 2 : i32
    %mul3A_0 = arith.muli %arg1, %mul3A : i32
    %add3A = arith.addi %mul3A_0, %arg0 : i32
    %mul3A_1 = arith.constant 128 : i32
    %mul3A_2 = arith.muli %add3A, %mul3A_1 : i32
    %jit3A = arith.constant 512 : i32
    %div3A = arith.divsi %mul3A_2, %jit3A : i32
    %sign3A = arith.constant 0 : i32
    %sign3A_3 = arith.cmpi sgt, %mul3A_2, %sign3A : i32
    %sign3A_4 = arith.extui %sign3A_3 : i1 to i32
    %sign3A_5 = arith.constant 0 : i32
    %sign3A_6 = arith.cmpi slt, %mul3A_2, %sign3A_5 : i32
    %sign3A_7 = arith.extui %sign3A_6 : i1 to i32
    %sign3A_8 = arith.subi %sign3A_4, %sign3A_7 : i32
    %sign3A_9 = arith.constant 0 : i32
    %sign3A_10 = arith.cmpi sgt, %jit3A, %sign3A_9 : i32
    %sign3A_11 = arith.extui %sign3A_10 : i1 to i32
    %sign3A_12 = arith.constant 0 : i32
    %sign3A_13 = arith.cmpi slt, %jit3A, %sign3A_12 : i32
    %sign3A_14 = arith.extui %sign3A_13 : i1 to i32
    %sign3A_15 = arith.subi %sign3A_11, %sign3A_14 : i32
    %ne3A = arith.cmpi ne, %sign3A_8, %sign3A_15 : i32
    %rem3A = arith.remsi %mul3A_2, %jit3A : i32
    %ne3A_16 = arith.constant 0 : i32
    %ne3A_17 = arith.cmpi ne, %rem3A, %ne3A_16 : i32
    %and3A = arith.andi %ne3A, %ne3A_17 : i1
    %sub3A = arith.constant 1 : i32
    %sub3A_18 = arith.subi %div3A, %sub3A : i32
    %select_n3A = arith.select %and3A, %sub3A_18, %div3A : i32
    %jit3A_19 = arith.constant 512 : i32
    %eq3A = arith.constant 0 : i32
    %eq3A_20 = arith.cmpi eq, %jit3A_19, %eq3A : i32
    %jit3A_21 = arith.constant 1 : i32
    %select_n3A_22 = arith.select %eq3A_20, %jit3A_21, %jit3A_19 : i32
    %rem3A_23 = arith.remsi %mul3A_2, %select_n3A_22 : i32
    %ne3A_24 = arith.constant 0 : i32
    %ne3A_25 = arith.cmpi ne, %rem3A_23, %ne3A_24 : i32
    %lt3A = arith.constant 0 : i32
    %lt3A_26 = arith.cmpi slt, %rem3A_23, %lt3A : i32
    %lt3A_27 = arith.constant 0 : i32
    %lt3A_28 = arith.cmpi slt, %select_n3A_22, %lt3A_27 : i32
    %ne3A_29 = arith.xori %lt3A_26, %lt3A_28 : i1
    %and3A_30 = arith.andi %ne3A_29, %ne3A_25 : i1
    %add3A_31 = arith.addi %rem3A_23, %select_n3A_22 : i32
    %select_n3A_32 = arith.select %and3A_30, %add3A_31, %rem3A_23 : i32
    "tpu.region"() ({
      %run_scoped3A = tpu.sem_alloc : memref<!tpu.dma_semaphore, #tpu.memory_space<semaphore_mem>>
      %dma_start3A_515 = tpu.memref_slice %arg3[%select_n3A, %select_n3A_32] : memref<8x512xi32, #tpu.memory_space<hbm>> -> memref<1x128xi32, #tpu.memory_space<hbm>>
      %dma_start3A_516 = tpu.memref_squeeze %dma_start3A_515 : memref<1x128xi32, #tpu.memory_space<hbm>> -> memref<128xi32, #tpu.memory_space<hbm>>
      %dma_start3A_517 = tpu.memref_slice %arg3[%select_n3A, %select_n3A_32] : memref<8x512xi32, #tpu.memory_space<hbm>> -> memref<1x128xi32, #tpu.memory_space<hbm>>
      %dma_start3A_518 = tpu.memref_squeeze %dma_start3A_517 : memref<1x128xi32, #tpu.memory_space<hbm>> -> memref<128xi32, #tpu.memory_space<hbm>>
      tpu.enqueue_dma source(%dma_start3A_518 : memref<128xi32, #tpu.memory_space<hbm>>) target(%arg5 : memref<128xi32, #tpu.memory_space<vmem>>) target_semaphore(%run_scoped3A : memref<!tpu.dma_semaphore, #tpu.memory_space<semaphore_mem>>)
      %dma_wait3A_519 = tpu.memref_slice %arg3[%select_n3A, %select_n3A_32] : memref<8x512xi32, #tpu.memory_space<hbm>> -> memref<1x128xi32, #tpu.memory_space<hbm>>
      %dma_wait3A_520 = tpu.memref_squeeze %dma_wait3A_519 : memref<1x128xi32, #tpu.memory_space<hbm>> -> memref<128xi32, #tpu.memory_space<hbm>>
      %dma_wait3A_521 = tpu.memref_slice %arg3[%select_n3A, %select_n3A_32] : memref<8x512xi32, #tpu.memory_space<hbm>> -> memref<1x128xi32, #tpu.memory_space<hbm>>
      %dma_wait3A_522 = tpu.memref_squeeze %dma_wait3A_521 : memref<1x128xi32, #tpu.memory_space<hbm>> -> memref<128xi32, #tpu.memory_space<hbm>>
      tpu.wait_dma2 semaphore(%run_scoped3A : memref<!tpu.dma_semaphore, #tpu.memory_space<semaphore_mem>>) src(%dma_wait3A_522 : memref<128xi32, #tpu.memory_space<hbm>>) dst(%arg5 : memref<128xi32, #tpu.memory_space<vmem>>)
      tpu.yield
    }) : () -> ()
    %iota3A = tpu.iota {dimensions = array<i32: 0>} : vector<16xi32>
    %get3A = arith.constant 0 : index
    %get3A_33 = tpu.vector_load %arg5[%get3A] {strides = array<i32>} : memref<128xi32, #tpu.memory_space<vmem>>, vector<16xi32>,
    %eq3A_34 = arith.constant 0 : i32
    %eq3A_35 = vector.broadcast %eq3A_34 : i32 to vector<16xi32>
    %eq3A_36 = arith.cmpi eq, %iota3A, %eq3A_35 : vector<16xi32>
    %jit3A_37 = arith.constant 0 : i32
    %broadcast_in_dim3A = vector.broadcast %jit3A_37 : i32 to vector<16xi32>
    %select_n3A_38 = arith.select %eq3A_36, %get3A_33, %broadcast_in_dim3A : vector<16xi1>, vector<16xi32>
    %reduce_sum3A = arith.constant true
    %reduce_sum3A_39 = vector.broadcast %reduce_sum3A : i1 to vector<16xi1>
    %reduce_sum3A_40 = tpu.scan <sum>, %select_n3A_38 masked %reduce_sum3A_39 : vector<16xi32>, vector<16xi1> -> vector<16xi32>
    %reduce_sum3A_41 = vector.extract %reduce_sum3A_40[15] : i32 from vector<16xi32>
    %dma_start3A = arith.constant 0 : i32
    %dma_start3A_42 = arith.constant 0 : i32
    %dma_start3A_43 = tpu.memref_slice %arg6[%dma_start3A, %dma_start3A_42] : memref<128x300xf32, #tpu.memory_space<vmem>> -> memref<1x300xf32, #tpu.memory_space<vmem>>
    %dma_start3A_44 = arith.constant 0 : i32
    %dma_start3A_45 = tpu.memref_slice %arg2[%reduce_sum3A_41, %dma_start3A_44] : memref<30522x300xf32, #tpu.memory_space<hbm>> -> memref<1x300xf32, #tpu.memory_space<hbm>>
    %dma_start3A_46 = arith.constant 0 : i32
    %dma_start3A_47 = arith.constant 0 : i32
    %dma_start3A_48 = tpu.memref_slice %arg6[%dma_start3A_46, %dma_start3A_47] : memref<128x300xf32, #tpu.memory_space<vmem>> -> memref<1x300xf32, #tpu.memory_space<vmem>>
    %dma_start3A_49 = arith.constant 0 : i32
    %dma_start3A_50 = tpu.memref_slice %arg2[%reduce_sum3A_41, %dma_start3A_49] : memref<30522x300xf32, #tpu.memory_space<hbm>> -> memref<1x300xf32, #tpu.memory_space<hbm>>
    tpu.enqueue_dma source(%dma_start3A_50 : memref<1x300xf32, #tpu.memory_space<hbm>>) target(%dma_start3A_48 : memref<1x300xf32, #tpu.memory_space<vmem>>) target_semaphore(%arg7 : memref<!tpu.dma_semaphore, #tpu.memory_space<semaphore_mem>>)
    %eq3A_51 = arith.constant 1 : i32
    %eq3A_52 = vector.broadcast %eq3A_51 : i32 to vector<16xi32>
    %eq3A_53 = arith.cmpi eq, %iota3A, %eq3A_52 : vector<16xi32>
    %jit3A_54 = arith.constant 0 : i32
    %broadcast_in_dim3A_55 = vector.broadcast %jit3A_54 : i32 to vector<16xi32>
    %select_n3A_56 = arith.select %eq3A_53, %get3A_33, %broadcast_in_dim3A_55 : vector<16xi1>, vector<16xi32>
    %reduce_sum3A_57 = arith.constant true
    %reduce_sum3A_58 = vector.broadcast %reduce_sum3A_57 : i1 to vector<16xi1>
    %reduce_sum3A_59 = tpu.scan <sum>, %select_n3A_56 masked %reduce_sum3A_58 : vector<16xi32>, vector<16xi1> -> vector<16xi32>
    %reduce_sum3A_60 = vector.extract %reduce_sum3A_59[15] : i32 from vector<16xi32>
    %dma_start3A_61 = arith.constant 1 : i32
    %dma_start3A_62 = arith.constant 0 : i32
    %dma_start3A_63 = tpu.memref_slice %arg6[%dma_start3A_61, %dma_start3A_62] : memref<128x300xf32, #tpu.memory_space<vmem>> -> memref<1x300xf32, #tpu.memory_space<vmem>>
    %dma_start3A_64 = arith.constant 0 : i32
    %dma_start3A_65 = tpu.memref_slice %arg2[%reduce_sum3A_60, %dma_start3A_64] : memref<30522x300xf32, #tpu.memory_space<hbm>> -> memref<1x300xf32, #tpu.memory_space<hbm>>
    %dma_start3A_66 = arith.constant 1 : i32
    %dma_start3A_67 = arith.constant 0 : i32
    %dma_start3A_68 = tpu.memref_slice %arg6[%dma_start3A_66, %dma_start3A_67] : memref<128x300xf32, #tpu.memory_space<vmem>> -> memref<1x300xf32, #tpu.memory_space<vmem>>
    %dma_start3A_69 = arith.constant 0 : i32
    %dma_start3A_70 = tpu.memref_slice %arg2[%reduce_sum3A_60, %dma_start3A_69] : memref<30522x300xf32, #tpu.memory_space<hbm>> -> memref<1x300xf32, #tpu.memory_space<hbm>>
    tpu.enqueue_dma source(%dma_start3A_70 : memref<1x300xf32, #tpu.memory_space<hbm>>) target(%dma_start3A_68 : memref<1x300xf32, #tpu.memory_space<vmem>>) target_semaphore(%arg7 : memref<!tpu.dma_semaphore, #tpu.memory_space<semaphore_mem>>)
    %eq3A_71 = arith.constant 2 : i32
    %eq3A_72 = vector.broadcast %eq3A_71 : i32 to vector<16xi32>
    %eq3A_73 = arith.cmpi eq, %iota3A, %eq3A_72 : vector<16xi32>
    %jit3A_74 = arith.constant 0 : i32
    %broadcast_in_dim3A_75 = vector.broadcast %jit3A_74 : i32 to vector<16xi32>
    %select_n3A_76 = arith.select %eq3A_73, %get3A_33, %broadcast_in_dim3A_75 : vector<16xi1>, vector<16xi32>
    %reduce_sum3A_77 = arith.constant true
    %reduce_sum3A_78 = vector.broadcast %reduce_sum3A_77 : i1 to vector<16xi1>
    %reduce_sum3A_79 = tpu.scan <sum>, %select_n3A_76 masked %reduce_sum3A_78 : vector<16xi32>, vector<16xi1> -> vector<16xi32>
    %reduce_sum3A_80 = vector.extract %reduce_sum3A_79[15] : i32 from vector<16xi32>
    %dma_start3A_81 = arith.constant 2 : i32
    %dma_start3A_82 = arith.constant 0 : i32
    %dma_start3A_83 = tpu.memref_slice %arg6[%dma_start3A_81, %dma_start3A_82] : memref<128x300xf32, #tpu.memory_space<vmem>> -> memref<1x300xf32, #tpu.memory_space<vmem>>
    %dma_start3A_84 = arith.constant 0 : i32
    %dma_start3A_85 = tpu.memref_slice %arg2[%reduce_sum3A_80, %dma_start3A_84] : memref<30522x300xf32, #tpu.memory_space<hbm>> -> memref<1x300xf32, #tpu.memory_space<hbm>>
    %dma_start3A_86 = arith.constant 2 : i32
    %dma_start3A_87 = arith.constant 0 : i32
    %dma_start3A_88 = tpu.memref_slice %arg6[%dma_start3A_86, %dma_start3A_87] : memref<128x300xf32, #tpu.memory_space<vmem>> -> memref<1x300xf32, #tpu.memory_space<vmem>>
    %dma_start3A_89 = arith.constant 0 : i32
    %dma_start3A_90 = tpu.memref_slice %arg2[%reduce_sum3A_80, %dma_start3A_89] : memref<30522x300xf32, #tpu.memory_space<hbm>> -> memref<1x300xf32, #tpu.memory_space<hbm>>
    tpu.enqueue_dma source(%dma_start3A_90 : memref<1x300xf32, #tpu.memory_space<hbm>>) target(%dma_start3A_88 : memref<1x300xf32, #tpu.memory_space<vmem>>) target_semaphore(%arg7 : memref<!tpu.dma_semaphore, #tpu.memory_space<semaphore_mem>>)
    %eq3A_91 = arith.constant 3 : i32
    %eq3A_92 = vector.broadcast %eq3A_91 : i32 to vector<16xi32>
    %eq3A_93 = arith.cmpi eq, %iota3A, %eq3A_92 : vector<16xi32>
    %jit3A_94 = arith.constant 0 : i32
    %broadcast_in_dim3A_95 = vector.broadcast %jit3A_94 : i32 to vector<16xi32>
    %select_n3A_96 = arith.select %eq3A_93, %get3A_33, %broadcast_in_dim3A_95 : vector<16xi1>, vector<16xi32>
    %reduce_sum3A_97 = arith.constant true
    %reduce_sum3A_98 = vector.broadcast %reduce_sum3A_97 : i1 to vector<16xi1>
    %reduce_sum3A_99 = tpu.scan <sum>, %select_n3A_96 masked %reduce_sum3A_98 : vector<16xi32>, vector<16xi1> -> vector<16xi32>
    %reduce_sum3A_100 = vector.extract %reduce_sum3A_99[15] : i32 from vector<16xi32>
    %dma_start3A_101 = arith.constant 3 : i32
    %dma_start3A_102 = arith.constant 0 : i32
    %dma_start3A_103 = tpu.memref_slice %arg6[%dma_start3A_101, %dma_start3A_102] : memref<128x300xf32, #tpu.memory_space<vmem>> -> memref<1x300xf32, #tpu.memory_space<vmem>>
    %dma_start3A_104 = arith.constant 0 : i32
    %dma_start3A_105 = tpu.memref_slice %arg2[%reduce_sum3A_100, %dma_start3A_104] : memref<30522x300xf32, #tpu.memory_space<hbm>> -> memref<1x300xf32, #tpu.memory_space<hbm>>
    %dma_start3A_106 = arith.constant 3 : i32
    %dma_start3A_107 = arith.constant 0 : i32
    %dma_start3A_108 = tpu.memref_slice %arg6[%dma_start3A_106, %dma_start3A_107] : memref<128x300xf32, #tpu.memory_space<vmem>> -> memref<1x300xf32, #tpu.memory_space<vmem>>
    %dma_start3A_109 = arith.constant 0 : i32
    %dma_start3A_110 = tpu.memref_slice %arg2[%reduce_sum3A_100, %dma_start3A_109] : memref<30522x300xf32, #tpu.memory_space<hbm>> -> memref<1x300xf32, #tpu.memory_space<hbm>>
    tpu.enqueue_dma source(%dma_start3A_110 : memref<1x300xf32, #tpu.memory_space<hbm>>) target(%dma_start3A_108 : memref<1x300xf32, #tpu.memory_space<vmem>>) target_semaphore(%arg7 : memref<!tpu.dma_semaphore, #tpu.memory_space<semaphore_mem>>)
    %eq3A_111 = arith.constant 4 : i32
    %eq3A_112 = vector.broadcast %eq3A_111 : i32 to vector<16xi32>
    %eq3A_113 = arith.cmpi eq, %iota3A, %eq3A_112 : vector<16xi32>
    %jit3A_114 = arith.constant 0 : i32
    %broadcast_in_dim3A_115 = vector.broadcast %jit3A_114 : i32 to vector<16xi32>
    %select_n3A_116 = arith.select %eq3A_113, %get3A_33, %broadcast_in_dim3A_115 : vector<16xi1>, vector<16xi32>
    %reduce_sum3A_117 = arith.constant true
    %reduce_sum3A_118 = vector.broadcast %reduce_sum3A_117 : i1 to vector<16xi1>
    %reduce_sum3A_119 = tpu.scan <sum>, %select_n3A_116 masked %reduce_sum3A_118 : vector<16xi32>, vector<16xi1> -> vector<16xi32>
    %reduce_sum3A_120 = vector.extract %reduce_sum3A_119[15] : i32 from vector<16xi32>
    %dma_start3A_121 = arith.constant 4 : i32
    %dma_start3A_122 = arith.constant 0 : i32
    %dma_start3A_123 = tpu.memref_slice %arg6[%dma_start3A_121, %dma_start3A_122] : memref<128x300xf32, #tpu.memory_space<vmem>> -> memref<1x300xf32, #tpu.memory_space<vmem>>
    %dma_start3A_124 = arith.constant 0 : i32
    %dma_start3A_125 = tpu.memref_slice %arg2[%reduce_sum3A_120, %dma_start3A_124] : memref<30522x300xf32, #tpu.memory_space<hbm>> -> memref<1x300xf32, #tpu.memory_space<hbm>>
    %dma_start3A_126 = arith.constant 4 : i32
    %dma_start3A_127 = arith.constant 0 : i32
    %dma_start3A_128 = tpu.memref_slice %arg6[%dma_start3A_126, %dma_start3A_127] : memref<128x300xf32, #tpu.memory_space<vmem>> -> memref<1x300xf32, #tpu.memory_space<vmem>>
    %dma_start3A_129 = arith.constant 0 : i32
    %dma_start3A_130 = tpu.memref_slice %arg2[%reduce_sum3A_120, %dma_start3A_129] : memref<30522x300xf32, #tpu.memory_space<hbm>> -> memref<1x300xf32, #tpu.memory_space<hbm>>
    tpu.enqueue_dma source(%dma_start3A_130 : memref<1x300xf32, #tpu.memory_space<hbm>>) target(%dma_start3A_128 : memref<1x300xf32, #tpu.memory_space<vmem>>) target_semaphore(%arg7 : memref<!tpu.dma_semaphore, #tpu.memory_space<semaphore_mem>>)
    %eq3A_131 = arith.constant 5 : i32
    %eq3A_132 = vector.broadcast %eq3A_131 : i32 to vector<16xi32>
    %eq3A_133 = arith.cmpi eq, %iota3A, %eq3A_132 : vector<16xi32>
    %jit3A_134 = arith.constant 0 : i32
    %broadcast_in_dim3A_135 = vector.broadcast %jit3A_134 : i32 to vector<16xi32>
    %select_n3A_136 = arith.select %eq3A_133, %get3A_33, %broadcast_in_dim3A_135 : vector<16xi1>, vector<16xi32>
    %reduce_sum3A_137 = arith.constant true
    %reduce_sum3A_138 = vector.broadcast %reduce_sum3A_137 : i1 to vector<16xi1>
    %reduce_sum3A_139 = tpu.scan <sum>, %select_n3A_136 masked %reduce_sum3A_138 : vector<16xi32>, vector<16xi1> -> vector<16xi32>
    %reduce_sum3A_140 = vector.extract %reduce_sum3A_139[15] : i32 from vector<16xi32>
    %dma_start3A_141 = arith.constant 5 : i32
    %dma_start3A_142 = arith.constant 0 : i32
    %dma_start3A_143 = tpu.memref_slice %arg6[%dma_start3A_141, %dma_start3A_142] : memref<128x300xf32, #tpu.memory_space<vmem>> -> memref<1x300xf32, #tpu.memory_space<vmem>>
    %dma_start3A_144 = arith.constant 0 : i32
    %dma_start3A_145 = tpu.memref_slice %arg2[%reduce_sum3A_140, %dma_start3A_144] : memref<30522x300xf32, #tpu.memory_space<hbm>> -> memref<1x300xf32, #tpu.memory_space<hbm>>
    %dma_start3A_146 = arith.constant 5 : i32
    %dma_start3A_147 = arith.constant 0 : i32
    %dma_start3A_148 = tpu.memref_slice %arg6[%dma_start3A_146, %dma_start3A_147] : memref<128x300xf32, #tpu.memory_space<vmem>> -> memref<1x300xf32, #tpu.memory_space<vmem>>
    %dma_start3A_149 = arith.constant 0 : i32
    %dma_start3A_150 = tpu.memref_slice %arg2[%reduce_sum3A_140, %dma_start3A_149] : memref<30522x300xf32, #tpu.memory_space<hbm>> -> memref<1x300xf32, #tpu.memory_space<hbm>>
    tpu.enqueue_dma source(%dma_start3A_150 : memref<1x300xf32, #tpu.memory_space<hbm>>) target(%dma_start3A_148 : memref<1x300xf32, #tpu.memory_space<vmem>>) target_semaphore(%arg7 : memref<!tpu.dma_semaphore, #tpu.memory_space<semaphore_mem>>)
    %eq3A_151 = arith.constant 6 : i32
    %eq3A_152 = vector.broadcast %eq3A_151 : i32 to vector<16xi32>
    %eq3A_153 = arith.cmpi eq, %iota3A, %eq3A_152 : vector<16xi32>
    %jit3A_154 = arith.constant 0 : i32
    %broadcast_in_dim3A_155 = vector.broadcast %jit3A_154 : i32 to vector<16xi32>
    %select_n3A_156 = arith.select %eq3A_153, %get3A_33, %broadcast_in_dim3A_155 : vector<16xi1>, vector<16xi32>
    %reduce_sum3A_157 = arith.constant true
    %reduce_sum3A_158 = vector.broadcast %reduce_sum3A_157 : i1 to vector<16xi1>
    %reduce_sum3A_159 = tpu.scan <sum>, %select_n3A_156 masked %reduce_sum3A_158 : vector<16xi32>, vector<16xi1> -> vector<16xi32>
    %reduce_sum3A_160 = vector.extract %reduce_sum3A_159[15] : i32 from vector<16xi32>
    %dma_start3A_161 = arith.constant 6 : i32
    %dma_start3A_162 = arith.constant 0 : i32
    %dma_start3A_163 = tpu.memref_slice %arg6[%dma_start3A_161, %dma_start3A_162] : memref<128x300xf32, #tpu.memory_space<vmem>> -> memref<1x300xf32, #tpu.memory_space<vmem>>
    %dma_start3A_164 = arith.constant 0 : i32
    %dma_start3A_165 = tpu.memref_slice %arg2[%reduce_sum3A_160, %dma_start3A_164] : memref<30522x300xf32, #tpu.memory_space<hbm>> -> memref<1x300xf32, #tpu.memory_space<hbm>>
    %dma_start3A_166 = arith.constant 6 : i32
    %dma_start3A_167 = arith.constant 0 : i32
    %dma_start3A_168 = tpu.memref_slice %arg6[%dma_start3A_166, %dma_start3A_167] : memref<128x300xf32, #tpu.memory_space<vmem>> -> memref<1x300xf32, #tpu.memory_space<vmem>>
    %dma_start3A_169 = arith.constant 0 : i32
    %dma_start3A_170 = tpu.memref_slice %arg2[%reduce_sum3A_160, %dma_start3A_169] : memref<30522x300xf32, #tpu.memory_space<hbm>> -> memref<1x300xf32, #tpu.memory_space<hbm>>
    tpu.enqueue_dma source(%dma_start3A_170 : memref<1x300xf32, #tpu.memory_space<hbm>>) target(%dma_start3A_168 : memref<1x300xf32, #tpu.memory_space<vmem>>) target_semaphore(%arg7 : memref<!tpu.dma_semaphore, #tpu.memory_space<semaphore_mem>>)
    %eq3A_171 = arith.constant 7 : i32
    %eq3A_172 = vector.broadcast %eq3A_171 : i32 to vector<16xi32>
    %eq3A_173 = arith.cmpi eq, %iota3A, %eq3A_172 : vector<16xi32>
    %jit3A_174 = arith.constant 0 : i32
    %broadcast_in_dim3A_175 = vector.broadcast %jit3A_174 : i32 to vector<16xi32>
    %select_n3A_176 = arith.select %eq3A_173, %get3A_33, %broadcast_in_dim3A_175 : vector<16xi1>, vector<16xi32>
    %reduce_sum3A_177 = arith.constant true
    %reduce_sum3A_178 = vector.broadcast %reduce_sum3A_177 : i1 to vector<16xi1>
    %reduce_sum3A_179 = tpu.scan <sum>, %select_n3A_176 masked %reduce_sum3A_178 : vector<16xi32>, vector<16xi1> -> vector<16xi32>
    %reduce_sum3A_180 = vector.extract %reduce_sum3A_179[15] : i32 from vector<16xi32>
    %dma_start3A_181 = arith.constant 7 : i32
    %dma_start3A_182 = arith.constant 0 : i32
    %dma_start3A_183 = tpu.memref_slice %arg6[%dma_start3A_181, %dma_start3A_182] : memref<128x300xf32, #tpu.memory_space<vmem>> -> memref<1x300xf32, #tpu.memory_space<vmem>>
    %dma_start3A_184 = arith.constant 0 : i32
    %dma_start3A_185 = tpu.memref_slice %arg2[%reduce_sum3A_180, %dma_start3A_184] : memref<30522x300xf32, #tpu.memory_space<hbm>> -> memref<1x300xf32, #tpu.memory_space<hbm>>
    %dma_start3A_186 = arith.constant 7 : i32
    %dma_start3A_187 = arith.constant 0 : i32
    %dma_start3A_188 = tpu.memref_slice %arg6[%dma_start3A_186, %dma_start3A_187] : memref<128x300xf32, #tpu.memory_space<vmem>> -> memref<1x300xf32, #tpu.memory_space<vmem>>
    %dma_start3A_189 = arith.constant 0 : i32
    %dma_start3A_190 = tpu.memref_slice %arg2[%reduce_sum3A_180, %dma_start3A_189] : memref<30522x300xf32, #tpu.memory_space<hbm>> -> memref<1x300xf32, #tpu.memory_space<hbm>>
    tpu.enqueue_dma source(%dma_start3A_190 : memref<1x300xf32, #tpu.memory_space<hbm>>) target(%dma_start3A_188 : memref<1x300xf32, #tpu.memory_space<vmem>>) target_semaphore(%arg7 : memref<!tpu.dma_semaphore, #tpu.memory_space<semaphore_mem>>)
    %eq3A_191 = arith.constant 8 : i32
    %eq3A_192 = vector.broadcast %eq3A_191 : i32 to vector<16xi32>
    %eq3A_193 = arith.cmpi eq, %iota3A, %eq3A_192 : vector<16xi32>
    %jit3A_194 = arith.constant 0 : i32
    %broadcast_in_dim3A_195 = vector.broadcast %jit3A_194 : i32 to vector<16xi32>
    %select_n3A_196 = arith.select %eq3A_193, %get3A_33, %broadcast_in_dim3A_195 : vector<16xi1>, vector<16xi32>
    %reduce_sum3A_197 = arith.constant true
    %reduce_sum3A_198 = vector.broadcast %reduce_sum3A_197 : i1 to vector<16xi1>
    %reduce_sum3A_199 = tpu.scan <sum>, %select_n3A_196 masked %reduce_sum3A_198 : vector<16xi32>, vector<16xi1> -> vector<16xi32>
    %reduce_sum3A_200 = vector.extract %reduce_sum3A_199[15] : i32 from vector<16xi32>
    %dma_start3A_201 = arith.constant 8 : i32
    %dma_start3A_202 = arith.constant 0 : i32
    %dma_start3A_203 = tpu.memref_slice %arg6[%dma_start3A_201, %dma_start3A_202] : memref<128x300xf32, #tpu.memory_space<vmem>> -> memref<1x300xf32, #tpu.memory_space<vmem>>
    %dma_start3A_204 = arith.constant 0 : i32
    %dma_start3A_205 = tpu.memref_slice %arg2[%reduce_sum3A_200, %dma_start3A_204] : memref<30522x300xf32, #tpu.memory_space<hbm>> -> memref<1x300xf32, #tpu.memory_space<hbm>>
    %dma_start3A_206 = arith.constant 8 : i32
    %dma_start3A_207 = arith.constant 0 : i32
    %dma_start3A_208 = tpu.memref_slice %arg6[%dma_start3A_206, %dma_start3A_207] : memref<128x300xf32, #tpu.memory_space<vmem>> -> memref<1x300xf32, #tpu.memory_space<vmem>>
    %dma_start3A_209 = arith.constant 0 : i32
    %dma_start3A_210 = tpu.memref_slice %arg2[%reduce_sum3A_200, %dma_start3A_209] : memref<30522x300xf32, #tpu.memory_space<hbm>> -> memref<1x300xf32, #tpu.memory_space<hbm>>
    tpu.enqueue_dma source(%dma_start3A_210 : memref<1x300xf32, #tpu.memory_space<hbm>>) target(%dma_start3A_208 : memref<1x300xf32, #tpu.memory_space<vmem>>) target_semaphore(%arg7 : memref<!tpu.dma_semaphore, #tpu.memory_space<semaphore_mem>>)
    %eq3A_211 = arith.constant 9 : i32
    %eq3A_212 = vector.broadcast %eq3A_211 : i32 to vector<16xi32>
    %eq3A_213 = arith.cmpi eq, %iota3A, %eq3A_212 : vector<16xi32>
    %jit3A_214 = arith.constant 0 : i32
    %broadcast_in_dim3A_215 = vector.broadcast %jit3A_214 : i32 to vector<16xi32>
    %select_n3A_216 = arith.select %eq3A_213, %get3A_33, %broadcast_in_dim3A_215 : vector<16xi1>, vector<16xi32>
    %reduce_sum3A_217 = arith.constant true
    %reduce_sum3A_218 = vector.broadcast %reduce_sum3A_217 : i1 to vector<16xi1>
    %reduce_sum3A_219 = tpu.scan <sum>, %select_n3A_216 masked %reduce_sum3A_218 : vector<16xi32>, vector<16xi1> -> vector<16xi32>
    %reduce_sum3A_220 = vector.extract %reduce_sum3A_219[15] : i32 from vector<16xi32>
    %dma_start3A_221 = arith.constant 9 : i32
    %dma_start3A_222 = arith.constant 0 : i32
    %dma_start3A_223 = tpu.memref_slice %arg6[%dma_start3A_221, %dma_start3A_222] : memref<128x300xf32, #tpu.memory_space<vmem>> -> memref<1x300xf32, #tpu.memory_space<vmem>>
    %dma_start3A_224 = arith.constant 0 : i32
    %dma_start3A_225 = tpu.memref_slice %arg2[%reduce_sum3A_220, %dma_start3A_224] : memref<30522x300xf32, #tpu.memory_space<hbm>> -> memref<1x300xf32, #tpu.memory_space<hbm>>
    %dma_start3A_226 = arith.constant 9 : i32
    %dma_start3A_227 = arith.constant 0 : i32
    %dma_start3A_228 = tpu.memref_slice %arg6[%dma_start3A_226, %dma_start3A_227] : memref<128x300xf32, #tpu.memory_space<vmem>> -> memref<1x300xf32, #tpu.memory_space<vmem>>
    %dma_start3A_229 = arith.constant 0 : i32
    %dma_start3A_230 = tpu.memref_slice %arg2[%reduce_sum3A_220, %dma_start3A_229] : memref<30522x300xf32, #tpu.memory_space<hbm>> -> memref<1x300xf32, #tpu.memory_space<hbm>>
    tpu.enqueue_dma source(%dma_start3A_230 : memref<1x300xf32, #tpu.memory_space<hbm>>) target(%dma_start3A_228 : memref<1x300xf32, #tpu.memory_space<vmem>>) target_semaphore(%arg7 : memref<!tpu.dma_semaphore, #tpu.memory_space<semaphore_mem>>)
    %eq3A_231 = arith.constant 10 : i32
    %eq3A_232 = vector.broadcast %eq3A_231 : i32 to vector<16xi32>
    %eq3A_233 = arith.cmpi eq, %iota3A, %eq3A_232 : vector<16xi32>
    %jit3A_234 = arith.constant 0 : i32
    %broadcast_in_dim3A_235 = vector.broadcast %jit3A_234 : i32 to vector<16xi32>
    %select_n3A_236 = arith.select %eq3A_233, %get3A_33, %broadcast_in_dim3A_235 : vector<16xi1>, vector<16xi32>
    %reduce_sum3A_237 = arith.constant true
    %reduce_sum3A_238 = vector.broadcast %reduce_sum3A_237 : i1 to vector<16xi1>
    %reduce_sum3A_239 = tpu.scan <sum>, %select_n3A_236 masked %reduce_sum3A_238 : vector<16xi32>, vector<16xi1> -> vector<16xi32>
    %reduce_sum3A_240 = vector.extract %reduce_sum3A_239[15] : i32 from vector<16xi32>
    %dma_start3A_241 = arith.constant 10 : i32
    %dma_start3A_242 = arith.constant 0 : i32
    %dma_start3A_243 = tpu.memref_slice %arg6[%dma_start3A_241, %dma_start3A_242] : memref<128x300xf32, #tpu.memory_space<vmem>> -> memref<1x300xf32, #tpu.memory_space<vmem>>
    %dma_start3A_244 = arith.constant 0 : i32
    %dma_start3A_245 = tpu.memref_slice %arg2[%reduce_sum3A_240, %dma_start3A_244] : memref<30522x300xf32, #tpu.memory_space<hbm>> -> memref<1x300xf32, #tpu.memory_space<hbm>>
    %dma_start3A_246 = arith.constant 10 : i32
    %dma_start3A_247 = arith.constant 0 : i32
    %dma_start3A_248 = tpu.memref_slice %arg6[%dma_start3A_246, %dma_start3A_247] : memref<128x300xf32, #tpu.memory_space<vmem>> -> memref<1x300xf32, #tpu.memory_space<vmem>>
    %dma_start3A_249 = arith.constant 0 : i32
    %dma_start3A_250 = tpu.memref_slice %arg2[%reduce_sum3A_240, %dma_start3A_249] : memref<30522x300xf32, #tpu.memory_space<hbm>> -> memref<1x300xf32, #tpu.memory_space<hbm>>
    tpu.enqueue_dma source(%dma_start3A_250 : memref<1x300xf32, #tpu.memory_space<hbm>>) target(%dma_start3A_248 : memref<1x300xf32, #tpu.memory_space<vmem>>) target_semaphore(%arg7 : memref<!tpu.dma_semaphore, #tpu.memory_space<semaphore_mem>>)
    %eq3A_251 = arith.constant 11 : i32
    %eq3A_252 = vector.broadcast %eq3A_251 : i32 to vector<16xi32>
    %eq3A_253 = arith.cmpi eq, %iota3A, %eq3A_252 : vector<16xi32>
    %jit3A_254 = arith.constant 0 : i32
    %broadcast_in_dim3A_255 = vector.broadcast %jit3A_254 : i32 to vector<16xi32>
    %select_n3A_256 = arith.select %eq3A_253, %get3A_33, %broadcast_in_dim3A_255 : vector<16xi1>, vector<16xi32>
    %reduce_sum3A_257 = arith.constant true
    %reduce_sum3A_258 = vector.broadcast %reduce_sum3A_257 : i1 to vector<16xi1>
    %reduce_sum3A_259 = tpu.scan <sum>, %select_n3A_256 masked %reduce_sum3A_258 : vector<16xi32>, vector<16xi1> -> vector<16xi32>
    %reduce_sum3A_260 = vector.extract %reduce_sum3A_259[15] : i32 from vector<16xi32>
    %dma_start3A_261 = arith.constant 11 : i32
    %dma_start3A_262 = arith.constant 0 : i32
    %dma_start3A_263 = tpu.memref_slice %arg6[%dma_start3A_261, %dma_start3A_262] : memref<128x300xf32, #tpu.memory_space<vmem>> -> memref<1x300xf32, #tpu.memory_space<vmem>>
    %dma_start3A_264 = arith.constant 0 : i32
    %dma_start3A_265 = tpu.memref_slice %arg2[%reduce_sum3A_260, %dma_start3A_264] : memref<30522x300xf32, #tpu.memory_space<hbm>> -> memref<1x300xf32, #tpu.memory_space<hbm>>
    %dma_start3A_266 = arith.constant 11 : i32
    %dma_start3A_267 = arith.constant 0 : i32
    %dma_start3A_268 = tpu.memref_slice %arg6[%dma_start3A_266, %dma_start3A_267] : memref<128x300xf32, #tpu.memory_space<vmem>> -> memref<1x300xf32, #tpu.memory_space<vmem>>
    %dma_start3A_269 = arith.constant 0 : i32
    %dma_start3A_270 = tpu.memref_slice %arg2[%reduce_sum3A_260, %dma_start3A_269] : memref<30522x300xf32, #tpu.memory_space<hbm>> -> memref<1x300xf32, #tpu.memory_space<hbm>>
    tpu.enqueue_dma source(%dma_start3A_270 : memref<1x300xf32, #tpu.memory_space<hbm>>) target(%dma_start3A_268 : memref<1x300xf32, #tpu.memory_space<vmem>>) target_semaphore(%arg7 : memref<!tpu.dma_semaphore, #tpu.memory_space<semaphore_mem>>)
    %eq3A_271 = arith.constant 12 : i32
    %eq3A_272 = vector.broadcast %eq3A_271 : i32 to vector<16xi32>
    %eq3A_273 = arith.cmpi eq, %iota3A, %eq3A_272 : vector<16xi32>
    %jit3A_274 = arith.constant 0 : i32
    %broadcast_in_dim3A_275 = vector.broadcast %jit3A_274 : i32 to vector<16xi32>
    %select_n3A_276 = arith.select %eq3A_273, %get3A_33, %broadcast_in_dim3A_275 : vector<16xi1>, vector<16xi32>
    %reduce_sum3A_277 = arith.constant true
    %reduce_sum3A_278 = vector.broadcast %reduce_sum3A_277 : i1 to vector<16xi1>
    %reduce_sum3A_279 = tpu.scan <sum>, %select_n3A_276 masked %reduce_sum3A_278 : vector<16xi32>, vector<16xi1> -> vector<16xi32>
    %reduce_sum3A_280 = vector.extract %reduce_sum3A_279[15] : i32 from vector<16xi32>
    %dma_start3A_281 = arith.constant 12 : i32
    %dma_start3A_282 = arith.constant 0 : i32
    %dma_start3A_283 = tpu.memref_slice %arg6[%dma_start3A_281, %dma_start3A_282] : memref<128x300xf32, #tpu.memory_space<vmem>> -> memref<1x300xf32, #tpu.memory_space<vmem>>
    %dma_start3A_284 = arith.constant 0 : i32
    %dma_start3A_285 = tpu.memref_slice %arg2[%reduce_sum3A_280, %dma_start3A_284] : memref<30522x300xf32, #tpu.memory_space<hbm>> -> memref<1x300xf32, #tpu.memory_space<hbm>>
    %dma_start3A_286 = arith.constant 12 : i32
    %dma_start3A_287 = arith.constant 0 : i32
    %dma_start3A_288 = tpu.memref_slice %arg6[%dma_start3A_286, %dma_start3A_287] : memref<128x300xf32, #tpu.memory_space<vmem>> -> memref<1x300xf32, #tpu.memory_space<vmem>>
    %dma_start3A_289 = arith.constant 0 : i32
    %dma_start3A_290 = tpu.memref_slice %arg2[%reduce_sum3A_280, %dma_start3A_289] : memref<30522x300xf32, #tpu.memory_space<hbm>> -> memref<1x300xf32, #tpu.memory_space<hbm>>
    tpu.enqueue_dma source(%dma_start3A_290 : memref<1x300xf32, #tpu.memory_space<hbm>>) target(%dma_start3A_288 : memref<1x300xf32, #tpu.memory_space<vmem>>) target_semaphore(%arg7 : memref<!tpu.dma_semaphore, #tpu.memory_space<semaphore_mem>>)
    %eq3A_291 = arith.constant 13 : i32
    %eq3A_292 = vector.broadcast %eq3A_291 : i32 to vector<16xi32>
    %eq3A_293 = arith.cmpi eq, %iota3A, %eq3A_292 : vector<16xi32>
    %jit3A_294 = arith.constant 0 : i32
    %broadcast_in_dim3A_295 = vector.broadcast %jit3A_294 : i32 to vector<16xi32>
    %select_n3A_296 = arith.select %eq3A_293, %get3A_33, %broadcast_in_dim3A_295 : vector<16xi1>, vector<16xi32>
    %reduce_sum3A_297 = arith.constant true
    %reduce_sum3A_298 = vector.broadcast %reduce_sum3A_297 : i1 to vector<16xi1>
    %reduce_sum3A_299 = tpu.scan <sum>, %select_n3A_296 masked %reduce_sum3A_298 : vector<16xi32>, vector<16xi1> -> vector<16xi32>
    %reduce_sum3A_300 = vector.extract %reduce_sum3A_299[15] : i32 from vector<16xi32>
    %dma_start3A_301 = arith.constant 13 : i32
    %dma_start3A_302 = arith.constant 0 : i32
    %dma_start3A_303 = tpu.memref_slice %arg6[%dma_start3A_301, %dma_start3A_302] : memref<128x300xf32, #tpu.memory_space<vmem>> -> memref<1x300xf32, #tpu.memory_space<vmem>>
    %dma_start3A_304 = arith.constant 0 : i32
    %dma_start3A_305 = tpu.memref_slice %arg2[%reduce_sum3A_300, %dma_start3A_304] : memref<30522x300xf32, #tpu.memory_space<hbm>> -> memref<1x300xf32, #tpu.memory_space<hbm>>
    %dma_start3A_306 = arith.constant 13 : i32
    %dma_start3A_307 = arith.constant 0 : i32
    %dma_start3A_308 = tpu.memref_slice %arg6[%dma_start3A_306, %dma_start3A_307] : memref<128x300xf32, #tpu.memory_space<vmem>> -> memref<1x300xf32, #tpu.memory_space<vmem>>
    %dma_start3A_309 = arith.constant 0 : i32
    %dma_start3A_310 = tpu.memref_slice %arg2[%reduce_sum3A_300, %dma_start3A_309] : memref<30522x300xf32, #tpu.memory_space<hbm>> -> memref<1x300xf32, #tpu.memory_space<hbm>>
    tpu.enqueue_dma source(%dma_start3A_310 : memref<1x300xf32, #tpu.memory_space<hbm>>) target(%dma_start3A_308 : memref<1x300xf32, #tpu.memory_space<vmem>>) target_semaphore(%arg7 : memref<!tpu.dma_semaphore, #tpu.memory_space<semaphore_mem>>)
    %eq3A_311 = arith.constant 14 : i32
    %eq3A_312 = vector.broadcast %eq3A_311 : i32 to vector<16xi32>
    %eq3A_313 = arith.cmpi eq, %iota3A, %eq3A_312 : vector<16xi32>
    %jit3A_314 = arith.constant 0 : i32
    %broadcast_in_dim3A_315 = vector.broadcast %jit3A_314 : i32 to vector<16xi32>
    %select_n3A_316 = arith.select %eq3A_313, %get3A_33, %broadcast_in_dim3A_315 : vector<16xi1>, vector<16xi32>
    %reduce_sum3A_317 = arith.constant true
    %reduce_sum3A_318 = vector.broadcast %reduce_sum3A_317 : i1 to vector<16xi1>
    %reduce_sum3A_319 = tpu.scan <sum>, %select_n3A_316 masked %reduce_sum3A_318 : vector<16xi32>, vector<16xi1> -> vector<16xi32>
    %reduce_sum3A_320 = vector.extract %reduce_sum3A_319[15] : i32 from vector<16xi32>
    %dma_start3A_321 = arith.constant 14 : i32
    %dma_start3A_322 = arith.constant 0 : i32
    %dma_start3A_323 = tpu.memref_slice %arg6[%dma_start3A_321, %dma_start3A_322] : memref<128x300xf32, #tpu.memory_space<vmem>> -> memref<1x300xf32, #tpu.memory_space<vmem>>
    %dma_start3A_324 = arith.constant 0 : i32
    %dma_start3A_325 = tpu.memref_slice %arg2[%reduce_sum3A_320, %dma_start3A_324] : memref<30522x300xf32, #tpu.memory_space<hbm>> -> memref<1x300xf32, #tpu.memory_space<hbm>>
    %dma_start3A_326 = arith.constant 14 : i32
    %dma_start3A_327 = arith.constant 0 : i32
    %dma_start3A_328 = tpu.memref_slice %arg6[%dma_start3A_326, %dma_start3A_327] : memref<128x300xf32, #tpu.memory_space<vmem>> -> memref<1x300xf32, #tpu.memory_space<vmem>>
    %dma_start3A_329 = arith.constant 0 : i32
    %dma_start3A_330 = tpu.memref_slice %arg2[%reduce_sum3A_320, %dma_start3A_329] : memref<30522x300xf32, #tpu.memory_space<hbm>> -> memref<1x300xf32, #tpu.memory_space<hbm>>
    tpu.enqueue_dma source(%dma_start3A_330 : memref<1x300xf32, #tpu.memory_space<hbm>>) target(%dma_start3A_328 : memref<1x300xf32, #tpu.memory_space<vmem>>) target_semaphore(%arg7 : memref<!tpu.dma_semaphore, #tpu.memory_space<semaphore_mem>>)
    %eq3A_331 = arith.constant 15 : i32
    %eq3A_332 = vector.broadcast %eq3A_331 : i32 to vector<16xi32>
    %eq3A_333 = arith.cmpi eq, %iota3A, %eq3A_332 : vector<16xi32>
    %jit3A_334 = arith.constant 0 : i32
    %broadcast_in_dim3A_335 = vector.broadcast %jit3A_334 : i32 to vector<16xi32>
    %select_n3A_336 = arith.select %eq3A_333, %get3A_33, %broadcast_in_dim3A_335 : vector<16xi1>, vector<16xi32>
    %reduce_sum3A_337 = arith.constant true
    %reduce_sum3A_338 = vector.broadcast %reduce_sum3A_337 : i1 to vector<16xi1>
    %reduce_sum3A_339 = tpu.scan <sum>, %select_n3A_336 masked %reduce_sum3A_338 : vector<16xi32>, vector<16xi1> -> vector<16xi32>
    %reduce_sum3A_340 = vector.extract %reduce_sum3A_339[15] : i32 from vector<16xi32>
    %dma_start3A_341 = arith.constant 15 : i32
    %dma_start3A_342 = arith.constant 0 : i32
    %dma_start3A_343 = tpu.memref_slice %arg6[%dma_start3A_341, %dma_start3A_342] : memref<128x300xf32, #tpu.memory_space<vmem>> -> memref<1x300xf32, #tpu.memory_space<vmem>>
    %dma_start3A_344 = arith.constant 0 : i32
    %dma_start3A_345 = tpu.memref_slice %arg2[%reduce_sum3A_340, %dma_start3A_344] : memref<30522x300xf32, #tpu.memory_space<hbm>> -> memref<1x300xf32, #tpu.memory_space<hbm>>
    %dma_start3A_346 = arith.constant 15 : i32
    %dma_start3A_347 = arith.constant 0 : i32
    %dma_start3A_348 = tpu.memref_slice %arg6[%dma_start3A_346, %dma_start3A_347] : memref<128x300xf32, #tpu.memory_space<vmem>> -> memref<1x300xf32, #tpu.memory_space<vmem>>
    %dma_start3A_349 = arith.constant 0 : i32
    %dma_start3A_350 = tpu.memref_slice %arg2[%reduce_sum3A_340, %dma_start3A_349] : memref<30522x300xf32, #tpu.memory_space<hbm>> -> memref<1x300xf32, #tpu.memory_space<hbm>>
    tpu.enqueue_dma source(%dma_start3A_350 : memref<1x300xf32, #tpu.memory_space<hbm>>) target(%dma_start3A_348 : memref<1x300xf32, #tpu.memory_space<vmem>>) target_semaphore(%arg7 : memref<!tpu.dma_semaphore, #tpu.memory_space<semaphore_mem>>)
    %scan3A = arith.constant 0 : i32
    %scan3A_351 = arith.constant 1 : i32
    %scan3A_352 = arith.constant 7 : i32
    %scan3A_353 = arith.addi %scan3A_351, %scan3A_352 : i32
    %scan3A_354 = arith.constant 1 : i32
    scf.for %scan3A_515 = %scan3A_351 to %scan3A_353 step %scan3A_354  : i32 {
      %mul3A_516 = arith.constant 16 : i32
      %mul3A_517 = arith.muli %scan3A_515, %mul3A_516 : i32
      %get3A_518 = arith.index_cast %mul3A_517 : i32 to index
      %get3A_519 = tpu.vector_load %arg5[%get3A_518] {strides = array<i32>} : memref<128xi32, #tpu.memory_space<vmem>>, vector<16xi32>,
      %eq3A_520 = arith.constant 0 : i32
      %eq3A_521 = vector.broadcast %eq3A_520 : i32 to vector<16xi32>
      %eq3A_522 = arith.cmpi eq, %iota3A, %eq3A_521 : vector<16xi32>
      %jit3A_523 = arith.constant 0 : i32
      %broadcast_in_dim3A_524 = vector.broadcast %jit3A_523 : i32 to vector<16xi32>
      %select_n3A_525 = arith.select %eq3A_522, %get3A_519, %broadcast_in_dim3A_524 : vector<16xi1>, vector<16xi32>
      %reduce_sum3A_526 = arith.constant true
      %reduce_sum3A_527 = vector.broadcast %reduce_sum3A_526 : i1 to vector<16xi1>
      %reduce_sum3A_528 = tpu.scan <sum>, %select_n3A_525 masked %reduce_sum3A_527 : vector<16xi32>, vector<16xi1> -> vector<16xi32>
      %reduce_sum3A_529 = vector.extract %reduce_sum3A_528[15] : i32 from vector<16xi32>
      %mul3A_530 = arith.constant 16 : i32
      %mul3A_531 = arith.muli %scan3A_515, %mul3A_530 : i32
      %add3A_532 = arith.constant 0 : i32
      %add3A_533 = arith.addi %mul3A_531, %add3A_532 : i32
      %dma_start3A_534 = arith.constant 0 : i32
      %dma_start3A_535 = tpu.memref_slice %arg6[%add3A_533, %dma_start3A_534] : memref<128x300xf32, #tpu.memory_space<vmem>> -> memref<1x300xf32, #tpu.memory_space<vmem>>
      %dma_start3A_536 = arith.constant 0 : i32
      %dma_start3A_537 = tpu.memref_slice %arg2[%reduce_sum3A_529, %dma_start3A_536] : memref<30522x300xf32, #tpu.memory_space<hbm>> -> memref<1x300xf32, #tpu.memory_space<hbm>>
      %dma_start3A_538 = arith.constant 0 : i32
      %dma_start3A_539 = tpu.memref_slice %arg6[%add3A_533, %dma_start3A_538] : memref<128x300xf32, #tpu.memory_space<vmem>> -> memref<1x300xf32, #tpu.memory_space<vmem>>
      %dma_start3A_540 = arith.constant 0 : i32
      %dma_start3A_541 = tpu.memref_slice %arg2[%reduce_sum3A_529, %dma_start3A_540] : memref<30522x300xf32, #tpu.memory_space<hbm>> -> memref<1x300xf32, #tpu.memory_space<hbm>>
      tpu.enqueue_dma source(%dma_start3A_541 : memref<1x300xf32, #tpu.memory_space<hbm>>) target(%dma_start3A_539 : memref<1x300xf32, #tpu.memory_space<vmem>>) target_semaphore(%arg7 : memref<!tpu.dma_semaphore, #tpu.memory_space<semaphore_mem>>)
      %eq3A_542 = arith.constant 1 : i32
      %eq3A_543 = vector.broadcast %eq3A_542 : i32 to vector<16xi32>
      %eq3A_544 = arith.cmpi eq, %iota3A, %eq3A_543 : vector<16xi32>
      %jit3A_545 = arith.constant 0 : i32
      %broadcast_in_dim3A_546 = vector.broadcast %jit3A_545 : i32 to vector<16xi32>
      %select_n3A_547 = arith.select %eq3A_544, %get3A_519, %broadcast_in_dim3A_546 : vector<16xi1>, vector<16xi32>
      %reduce_sum3A_548 = arith.constant true
      %reduce_sum3A_549 = vector.broadcast %reduce_sum3A_548 : i1 to vector<16xi1>
      %reduce_sum3A_550 = tpu.scan <sum>, %select_n3A_547 masked %reduce_sum3A_549 : vector<16xi32>, vector<16xi1> -> vector<16xi32>
      %reduce_sum3A_551 = vector.extract %reduce_sum3A_550[15] : i32 from vector<16xi32>
      %mul3A_552 = arith.constant 16 : i32
      %mul3A_553 = arith.muli %scan3A_515, %mul3A_552 : i32
      %add3A_554 = arith.constant 1 : i32
      %add3A_555 = arith.addi %mul3A_553, %add3A_554 : i32
      %dma_start3A_556 = arith.constant 0 : i32
      %dma_start3A_557 = tpu.memref_slice %arg6[%add3A_555, %dma_start3A_556] : memref<128x300xf32, #tpu.memory_space<vmem>> -> memref<1x300xf32, #tpu.memory_space<vmem>>
      %dma_start3A_558 = arith.constant 0 : i32
      %dma_start3A_559 = tpu.memref_slice %arg2[%reduce_sum3A_551, %dma_start3A_558] : memref<30522x300xf32, #tpu.memory_space<hbm>> -> memref<1x300xf32, #tpu.memory_space<hbm>>
      %dma_start3A_560 = arith.constant 0 : i32
      %dma_start3A_561 = tpu.memref_slice %arg6[%add3A_555, %dma_start3A_560] : memref<128x300xf32, #tpu.memory_space<vmem>> -> memref<1x300xf32, #tpu.memory_space<vmem>>
      %dma_start3A_562 = arith.constant 0 : i32
      %dma_start3A_563 = tpu.memref_slice %arg2[%reduce_sum3A_551, %dma_start3A_562] : memref<30522x300xf32, #tpu.memory_space<hbm>> -> memref<1x300xf32, #tpu.memory_space<hbm>>
      tpu.enqueue_dma source(%dma_start3A_563 : memref<1x300xf32, #tpu.memory_space<hbm>>) target(%dma_start3A_561 : memref<1x300xf32, #tpu.memory_space<vmem>>) target_semaphore(%arg7 : memref<!tpu.dma_semaphore, #tpu.memory_space<semaphore_mem>>)
      %eq3A_564 = arith.constant 2 : i32
      %eq3A_565 = vector.broadcast %eq3A_564 : i32 to vector<16xi32>
      %eq3A_566 = arith.cmpi eq, %iota3A, %eq3A_565 : vector<16xi32>
      %jit3A_567 = arith.constant 0 : i32
      %broadcast_in_dim3A_568 = vector.broadcast %jit3A_567 : i32 to vector<16xi32>
      %select_n3A_569 = arith.select %eq3A_566, %get3A_519, %broadcast_in_dim3A_568 : vector<16xi1>, vector<16xi32>
      %reduce_sum3A_570 = arith.constant true
      %reduce_sum3A_571 = vector.broadcast %reduce_sum3A_570 : i1 to vector<16xi1>
      %reduce_sum3A_572 = tpu.scan <sum>, %select_n3A_569 masked %reduce_sum3A_571 : vector<16xi32>, vector<16xi1> -> vector<16xi32>
      %reduce_sum3A_573 = vector.extract %reduce_sum3A_572[15] : i32 from vector<16xi32>
      %mul3A_574 = arith.constant 16 : i32
      %mul3A_575 = arith.muli %scan3A_515, %mul3A_574 : i32
      %add3A_576 = arith.constant 2 : i32
      %add3A_577 = arith.addi %mul3A_575, %add3A_576 : i32
      %dma_start3A_578 = arith.constant 0 : i32
      %dma_start3A_579 = tpu.memref_slice %arg6[%add3A_577, %dma_start3A_578] : memref<128x300xf32, #tpu.memory_space<vmem>> -> memref<1x300xf32, #tpu.memory_space<vmem>>
      %dma_start3A_580 = arith.constant 0 : i32
      %dma_start3A_581 = tpu.memref_slice %arg2[%reduce_sum3A_573, %dma_start3A_580] : memref<30522x300xf32, #tpu.memory_space<hbm>> -> memref<1x300xf32, #tpu.memory_space<hbm>>
      %dma_start3A_582 = arith.constant 0 : i32
      %dma_start3A_583 = tpu.memref_slice %arg6[%add3A_577, %dma_start3A_582] : memref<128x300xf32, #tpu.memory_space<vmem>> -> memref<1x300xf32, #tpu.memory_space<vmem>>
      %dma_start3A_584 = arith.constant 0 : i32
      %dma_start3A_585 = tpu.memref_slice %arg2[%reduce_sum3A_573, %dma_start3A_584] : memref<30522x300xf32, #tpu.memory_space<hbm>> -> memref<1x300xf32, #tpu.memory_space<hbm>>
      tpu.enqueue_dma source(%dma_start3A_585 : memref<1x300xf32, #tpu.memory_space<hbm>>) target(%dma_start3A_583 : memref<1x300xf32, #tpu.memory_space<vmem>>) target_semaphore(%arg7 : memref<!tpu.dma_semaphore, #tpu.memory_space<semaphore_mem>>)
      %eq3A_586 = arith.constant 3 : i32
      %eq3A_587 = vector.broadcast %eq3A_586 : i32 to vector<16xi32>
      %eq3A_588 = arith.cmpi eq, %iota3A, %eq3A_587 : vector<16xi32>
      %jit3A_589 = arith.constant 0 : i32
      %broadcast_in_dim3A_590 = vector.broadcast %jit3A_589 : i32 to vector<16xi32>
      %select_n3A_591 = arith.select %eq3A_588, %get3A_519, %broadcast_in_dim3A_590 : vector<16xi1>, vector<16xi32>
      %reduce_sum3A_592 = arith.constant true
      %reduce_sum3A_593 = vector.broadcast %reduce_sum3A_592 : i1 to vector<16xi1>
      %reduce_sum3A_594 = tpu.scan <sum>, %select_n3A_591 masked %reduce_sum3A_593 : vector<16xi32>, vector<16xi1> -> vector<16xi32>
      %reduce_sum3A_595 = vector.extract %reduce_sum3A_594[15] : i32 from vector<16xi32>
      %mul3A_596 = arith.constant 16 : i32
      %mul3A_597 = arith.muli %scan3A_515, %mul3A_596 : i32
      %add3A_598 = arith.constant 3 : i32
      %add3A_599 = arith.addi %mul3A_597, %add3A_598 : i32
      %dma_start3A_600 = arith.constant 0 : i32
      %dma_start3A_601 = tpu.memref_slice %arg6[%add3A_599, %dma_start3A_600] : memref<128x300xf32, #tpu.memory_space<vmem>> -> memref<1x300xf32, #tpu.memory_space<vmem>>
      %dma_start3A_602 = arith.constant 0 : i32
      %dma_start3A_603 = tpu.memref_slice %arg2[%reduce_sum3A_595, %dma_start3A_602] : memref<30522x300xf32, #tpu.memory_space<hbm>> -> memref<1x300xf32, #tpu.memory_space<hbm>>
      %dma_start3A_604 = arith.constant 0 : i32
      %dma_start3A_605 = tpu.memref_slice %arg6[%add3A_599, %dma_start3A_604] : memref<128x300xf32, #tpu.memory_space<vmem>> -> memref<1x300xf32, #tpu.memory_space<vmem>>
      %dma_start3A_606 = arith.constant 0 : i32
      %dma_start3A_607 = tpu.memref_slice %arg2[%reduce_sum3A_595, %dma_start3A_606] : memref<30522x300xf32, #tpu.memory_space<hbm>> -> memref<1x300xf32, #tpu.memory_space<hbm>>
      tpu.enqueue_dma source(%dma_start3A_607 : memref<1x300xf32, #tpu.memory_space<hbm>>) target(%dma_start3A_605 : memref<1x300xf32, #tpu.memory_space<vmem>>) target_semaphore(%arg7 : memref<!tpu.dma_semaphore, #tpu.memory_space<semaphore_mem>>)
      %eq3A_608 = arith.constant 4 : i32
      %eq3A_609 = vector.broadcast %eq3A_608 : i32 to vector<16xi32>
      %eq3A_610 = arith.cmpi eq, %iota3A, %eq3A_609 : vector<16xi32>
      %jit3A_611 = arith.constant 0 : i32
      %broadcast_in_dim3A_612 = vector.broadcast %jit3A_611 : i32 to vector<16xi32>
      %select_n3A_613 = arith.select %eq3A_610, %get3A_519, %broadcast_in_dim3A_612 : vector<16xi1>, vector<16xi32>
      %reduce_sum3A_614 = arith.constant true
      %reduce_sum3A_615 = vector.broadcast %reduce_sum3A_614 : i1 to vector<16xi1>
      %reduce_sum3A_616 = tpu.scan <sum>, %select_n3A_613 masked %reduce_sum3A_615 : vector<16xi32>, vector<16xi1> -> vector<16xi32>
      %reduce_sum3A_617 = vector.extract %reduce_sum3A_616[15] : i32 from vector<16xi32>
      %mul3A_618 = arith.constant 16 : i32
      %mul3A_619 = arith.muli %scan3A_515, %mul3A_618 : i32
      %add3A_620 = arith.constant 4 : i32
      %add3A_621 = arith.addi %mul3A_619, %add3A_620 : i32
      %dma_start3A_622 = arith.constant 0 : i32
      %dma_start3A_623 = tpu.memref_slice %arg6[%add3A_621, %dma_start3A_622] : memref<128x300xf32, #tpu.memory_space<vmem>> -> memref<1x300xf32, #tpu.memory_space<vmem>>
      %dma_start3A_624 = arith.constant 0 : i32
      %dma_start3A_625 = tpu.memref_slice %arg2[%reduce_sum3A_617, %dma_start3A_624] : memref<30522x300xf32, #tpu.memory_space<hbm>> -> memref<1x300xf32, #tpu.memory_space<hbm>>
      %dma_start3A_626 = arith.constant 0 : i32
      %dma_start3A_627 = tpu.memref_slice %arg6[%add3A_621, %dma_start3A_626] : memref<128x300xf32, #tpu.memory_space<vmem>> -> memref<1x300xf32, #tpu.memory_space<vmem>>
      %dma_start3A_628 = arith.constant 0 : i32
      %dma_start3A_629 = tpu.memref_slice %arg2[%reduce_sum3A_617, %dma_start3A_628] : memref<30522x300xf32, #tpu.memory_space<hbm>> -> memref<1x300xf32, #tpu.memory_space<hbm>>
      tpu.enqueue_dma source(%dma_start3A_629 : memref<1x300xf32, #tpu.memory_space<hbm>>) target(%dma_start3A_627 : memref<1x300xf32, #tpu.memory_space<vmem>>) target_semaphore(%arg7 : memref<!tpu.dma_semaphore, #tpu.memory_space<semaphore_mem>>)
      %eq3A_630 = arith.constant 5 : i32
      %eq3A_631 = vector.broadcast %eq3A_630 : i32 to vector<16xi32>
      %eq3A_632 = arith.cmpi eq, %iota3A, %eq3A_631 : vector<16xi32>
      %jit3A_633 = arith.constant 0 : i32
      %broadcast_in_dim3A_634 = vector.broadcast %jit3A_633 : i32 to vector<16xi32>
      %select_n3A_635 = arith.select %eq3A_632, %get3A_519, %broadcast_in_dim3A_634 : vector<16xi1>, vector<16xi32>
      %reduce_sum3A_636 = arith.constant true
      %reduce_sum3A_637 = vector.broadcast %reduce_sum3A_636 : i1 to vector<16xi1>
      %reduce_sum3A_638 = tpu.scan <sum>, %select_n3A_635 masked %reduce_sum3A_637 : vector<16xi32>, vector<16xi1> -> vector<16xi32>
      %reduce_sum3A_639 = vector.extract %reduce_sum3A_638[15] : i32 from vector<16xi32>
      %mul3A_640 = arith.constant 16 : i32
      %mul3A_641 = arith.muli %scan3A_515, %mul3A_640 : i32
      %add3A_642 = arith.constant 5 : i32
      %add3A_643 = arith.addi %mul3A_641, %add3A_642 : i32
      %dma_start3A_644 = arith.constant 0 : i32
      %dma_start3A_645 = tpu.memref_slice %arg6[%add3A_643, %dma_start3A_644] : memref<128x300xf32, #tpu.memory_space<vmem>> -> memref<1x300xf32, #tpu.memory_space<vmem>>
      %dma_start3A_646 = arith.constant 0 : i32
      %dma_start3A_647 = tpu.memref_slice %arg2[%reduce_sum3A_639, %dma_start3A_646] : memref<30522x300xf32, #tpu.memory_space<hbm>> -> memref<1x300xf32, #tpu.memory_space<hbm>>
      %dma_start3A_648 = arith.constant 0 : i32
      %dma_start3A_649 = tpu.memref_slice %arg6[%add3A_643, %dma_start3A_648] : memref<128x300xf32, #tpu.memory_space<vmem>> -> memref<1x300xf32, #tpu.memory_space<vmem>>
      %dma_start3A_650 = arith.constant 0 : i32
      %dma_start3A_651 = tpu.memref_slice %arg2[%reduce_sum3A_639, %dma_start3A_650] : memref<30522x300xf32, #tpu.memory_space<hbm>> -> memref<1x300xf32, #tpu.memory_space<hbm>>
      tpu.enqueue_dma source(%dma_start3A_651 : memref<1x300xf32, #tpu.memory_space<hbm>>) target(%dma_start3A_649 : memref<1x300xf32, #tpu.memory_space<vmem>>) target_semaphore(%arg7 : memref<!tpu.dma_semaphore, #tpu.memory_space<semaphore_mem>>)
      %eq3A_652 = arith.constant 6 : i32
      %eq3A_653 = vector.broadcast %eq3A_652 : i32 to vector<16xi32>
      %eq3A_654 = arith.cmpi eq, %iota3A, %eq3A_653 : vector<16xi32>
      %jit3A_655 = arith.constant 0 : i32
      %broadcast_in_dim3A_656 = vector.broadcast %jit3A_655 : i32 to vector<16xi32>
      %select_n3A_657 = arith.select %eq3A_654, %get3A_519, %broadcast_in_dim3A_656 : vector<16xi1>, vector<16xi32>
      %reduce_sum3A_658 = arith.constant true
      %reduce_sum3A_659 = vector.broadcast %reduce_sum3A_658 : i1 to vector<16xi1>
      %reduce_sum3A_660 = tpu.scan <sum>, %select_n3A_657 masked %reduce_sum3A_659 : vector<16xi32>, vector<16xi1> -> vector<16xi32>
      %reduce_sum3A_661 = vector.extract %reduce_sum3A_660[15] : i32 from vector<16xi32>
      %mul3A_662 = arith.constant 16 : i32
      %mul3A_663 = arith.muli %scan3A_515, %mul3A_662 : i32
      %add3A_664 = arith.constant 6 : i32
      %add3A_665 = arith.addi %mul3A_663, %add3A_664 : i32
      %dma_start3A_666 = arith.constant 0 : i32
      %dma_start3A_667 = tpu.memref_slice %arg6[%add3A_665, %dma_start3A_666] : memref<128x300xf32, #tpu.memory_space<vmem>> -> memref<1x300xf32, #tpu.memory_space<vmem>>
      %dma_start3A_668 = arith.constant 0 : i32
      %dma_start3A_669 = tpu.memref_slice %arg2[%reduce_sum3A_661, %dma_start3A_668] : memref<30522x300xf32, #tpu.memory_space<hbm>> -> memref<1x300xf32, #tpu.memory_space<hbm>>
      %dma_start3A_670 = arith.constant 0 : i32
      %dma_start3A_671 = tpu.memref_slice %arg6[%add3A_665, %dma_start3A_670] : memref<128x300xf32, #tpu.memory_space<vmem>> -> memref<1x300xf32, #tpu.memory_space<vmem>>
      %dma_start3A_672 = arith.constant 0 : i32
      %dma_start3A_673 = tpu.memref_slice %arg2[%reduce_sum3A_661, %dma_start3A_672] : memref<30522x300xf32, #tpu.memory_space<hbm>> -> memref<1x300xf32, #tpu.memory_space<hbm>>
      tpu.enqueue_dma source(%dma_start3A_673 : memref<1x300xf32, #tpu.memory_space<hbm>>) target(%dma_start3A_671 : memref<1x300xf32, #tpu.memory_space<vmem>>) target_semaphore(%arg7 : memref<!tpu.dma_semaphore, #tpu.memory_space<semaphore_mem>>)
      %eq3A_674 = arith.constant 7 : i32
      %eq3A_675 = vector.broadcast %eq3A_674 : i32 to vector<16xi32>
      %eq3A_676 = arith.cmpi eq, %iota3A, %eq3A_675 : vector<16xi32>
      %jit3A_677 = arith.constant 0 : i32
      %broadcast_in_dim3A_678 = vector.broadcast %jit3A_677 : i32 to vector<16xi32>
      %select_n3A_679 = arith.select %eq3A_676, %get3A_519, %broadcast_in_dim3A_678 : vector<16xi1>, vector<16xi32>
      %reduce_sum3A_680 = arith.constant true
      %reduce_sum3A_681 = vector.broadcast %reduce_sum3A_680 : i1 to vector<16xi1>
      %reduce_sum3A_682 = tpu.scan <sum>, %select_n3A_679 masked %reduce_sum3A_681 : vector<16xi32>, vector<16xi1> -> vector<16xi32>
      %reduce_sum3A_683 = vector.extract %reduce_sum3A_682[15] : i32 from vector<16xi32>
      %mul3A_684 = arith.constant 16 : i32
      %mul3A_685 = arith.muli %scan3A_515, %mul3A_684 : i32
      %add3A_686 = arith.constant 7 : i32
      %add3A_687 = arith.addi %mul3A_685, %add3A_686 : i32
      %dma_start3A_688 = arith.constant 0 : i32
      %dma_start3A_689 = tpu.memref_slice %arg6[%add3A_687, %dma_start3A_688] : memref<128x300xf32, #tpu.memory_space<vmem>> -> memref<1x300xf32, #tpu.memory_space<vmem>>
      %dma_start3A_690 = arith.constant 0 : i32
      %dma_start3A_691 = tpu.memref_slice %arg2[%reduce_sum3A_683, %dma_start3A_690] : memref<30522x300xf32, #tpu.memory_space<hbm>> -> memref<1x300xf32, #tpu.memory_space<hbm>>
      %dma_start3A_692 = arith.constant 0 : i32
      %dma_start3A_693 = tpu.memref_slice %arg6[%add3A_687, %dma_start3A_692] : memref<128x300xf32, #tpu.memory_space<vmem>> -> memref<1x300xf32, #tpu.memory_space<vmem>>
      %dma_start3A_694 = arith.constant 0 : i32
      %dma_start3A_695 = tpu.memref_slice %arg2[%reduce_sum3A_683, %dma_start3A_694] : memref<30522x300xf32, #tpu.memory_space<hbm>> -> memref<1x300xf32, #tpu.memory_space<hbm>>
      tpu.enqueue_dma source(%dma_start3A_695 : memref<1x300xf32, #tpu.memory_space<hbm>>) target(%dma_start3A_693 : memref<1x300xf32, #tpu.memory_space<vmem>>) target_semaphore(%arg7 : memref<!tpu.dma_semaphore, #tpu.memory_space<semaphore_mem>>)
      %eq3A_696 = arith.constant 8 : i32
      %eq3A_697 = vector.broadcast %eq3A_696 : i32 to vector<16xi32>
      %eq3A_698 = arith.cmpi eq, %iota3A, %eq3A_697 : vector<16xi32>
      %jit3A_699 = arith.constant 0 : i32
      %broadcast_in_dim3A_700 = vector.broadcast %jit3A_699 : i32 to vector<16xi32>
      %select_n3A_701 = arith.select %eq3A_698, %get3A_519, %broadcast_in_dim3A_700 : vector<16xi1>, vector<16xi32>
      %reduce_sum3A_702 = arith.constant true
      %reduce_sum3A_703 = vector.broadcast %reduce_sum3A_702 : i1 to vector<16xi1>
      %reduce_sum3A_704 = tpu.scan <sum>, %select_n3A_701 masked %reduce_sum3A_703 : vector<16xi32>, vector<16xi1> -> vector<16xi32>
      %reduce_sum3A_705 = vector.extract %reduce_sum3A_704[15] : i32 from vector<16xi32>
      %mul3A_706 = arith.constant 16 : i32
      %mul3A_707 = arith.muli %scan3A_515, %mul3A_706 : i32
      %add3A_708 = arith.constant 8 : i32
      %add3A_709 = arith.addi %mul3A_707, %add3A_708 : i32
      %dma_start3A_710 = arith.constant 0 : i32
      %dma_start3A_711 = tpu.memref_slice %arg6[%add3A_709, %dma_start3A_710] : memref<128x300xf32, #tpu.memory_space<vmem>> -> memref<1x300xf32, #tpu.memory_space<vmem>>
      %dma_start3A_712 = arith.constant 0 : i32
      %dma_start3A_713 = tpu.memref_slice %arg2[%reduce_sum3A_705, %dma_start3A_712] : memref<30522x300xf32, #tpu.memory_space<hbm>> -> memref<1x300xf32, #tpu.memory_space<hbm>>
      %dma_start3A_714 = arith.constant 0 : i32
      %dma_start3A_715 = tpu.memref_slice %arg6[%add3A_709, %dma_start3A_714] : memref<128x300xf32, #tpu.memory_space<vmem>> -> memref<1x300xf32, #tpu.memory_space<vmem>>
      %dma_start3A_716 = arith.constant 0 : i32
      %dma_start3A_717 = tpu.memref_slice %arg2[%reduce_sum3A_705, %dma_start3A_716] : memref<30522x300xf32, #tpu.memory_space<hbm>> -> memref<1x300xf32, #tpu.memory_space<hbm>>
      tpu.enqueue_dma source(%dma_start3A_717 : memref<1x300xf32, #tpu.memory_space<hbm>>) target(%dma_start3A_715 : memref<1x300xf32, #tpu.memory_space<vmem>>) target_semaphore(%arg7 : memref<!tpu.dma_semaphore, #tpu.memory_space<semaphore_mem>>)
      %eq3A_718 = arith.constant 9 : i32
      %eq3A_719 = vector.broadcast %eq3A_718 : i32 to vector<16xi32>
      %eq3A_720 = arith.cmpi eq, %iota3A, %eq3A_719 : vector<16xi32>
      %jit3A_721 = arith.constant 0 : i32
      %broadcast_in_dim3A_722 = vector.broadcast %jit3A_721 : i32 to vector<16xi32>
      %select_n3A_723 = arith.select %eq3A_720, %get3A_519, %broadcast_in_dim3A_722 : vector<16xi1>, vector<16xi32>
      %reduce_sum3A_724 = arith.constant true
      %reduce_sum3A_725 = vector.broadcast %reduce_sum3A_724 : i1 to vector<16xi1>
      %reduce_sum3A_726 = tpu.scan <sum>, %select_n3A_723 masked %reduce_sum3A_725 : vector<16xi32>, vector<16xi1> -> vector<16xi32>
      %reduce_sum3A_727 = vector.extract %reduce_sum3A_726[15] : i32 from vector<16xi32>
      %mul3A_728 = arith.constant 16 : i32
      %mul3A_729 = arith.muli %scan3A_515, %mul3A_728 : i32
      %add3A_730 = arith.constant 9 : i32
      %add3A_731 = arith.addi %mul3A_729, %add3A_730 : i32
      %dma_start3A_732 = arith.constant 0 : i32
      %dma_start3A_733 = tpu.memref_slice %arg6[%add3A_731, %dma_start3A_732] : memref<128x300xf32, #tpu.memory_space<vmem>> -> memref<1x300xf32, #tpu.memory_space<vmem>>
      %dma_start3A_734 = arith.constant 0 : i32
      %dma_start3A_735 = tpu.memref_slice %arg2[%reduce_sum3A_727, %dma_start3A_734] : memref<30522x300xf32, #tpu.memory_space<hbm>> -> memref<1x300xf32, #tpu.memory_space<hbm>>
      %dma_start3A_736 = arith.constant 0 : i32
      %dma_start3A_737 = tpu.memref_slice %arg6[%add3A_731, %dma_start3A_736] : memref<128x300xf32, #tpu.memory_space<vmem>> -> memref<1x300xf32, #tpu.memory_space<vmem>>
      %dma_start3A_738 = arith.constant 0 : i32
      %dma_start3A_739 = tpu.memref_slice %arg2[%reduce_sum3A_727, %dma_start3A_738] : memref<30522x300xf32, #tpu.memory_space<hbm>> -> memref<1x300xf32, #tpu.memory_space<hbm>>
      tpu.enqueue_dma source(%dma_start3A_739 : memref<1x300xf32, #tpu.memory_space<hbm>>) target(%dma_start3A_737 : memref<1x300xf32, #tpu.memory_space<vmem>>) target_semaphore(%arg7 : memref<!tpu.dma_semaphore, #tpu.memory_space<semaphore_mem>>)
      %eq3A_740 = arith.constant 10 : i32
      %eq3A_741 = vector.broadcast %eq3A_740 : i32 to vector<16xi32>
      %eq3A_742 = arith.cmpi eq, %iota3A, %eq3A_741 : vector<16xi32>
      %jit3A_743 = arith.constant 0 : i32
      %broadcast_in_dim3A_744 = vector.broadcast %jit3A_743 : i32 to vector<16xi32>
      %select_n3A_745 = arith.select %eq3A_742, %get3A_519, %broadcast_in_dim3A_744 : vector<16xi1>, vector<16xi32>
      %reduce_sum3A_746 = arith.constant true
      %reduce_sum3A_747 = vector.broadcast %reduce_sum3A_746 : i1 to vector<16xi1>
      %reduce_sum3A_748 = tpu.scan <sum>, %select_n3A_745 masked %reduce_sum3A_747 : vector<16xi32>, vector<16xi1> -> vector<16xi32>
      %reduce_sum3A_749 = vector.extract %reduce_sum3A_748[15] : i32 from vector<16xi32>
      %mul3A_750 = arith.constant 16 : i32
      %mul3A_751 = arith.muli %scan3A_515, %mul3A_750 : i32
      %add3A_752 = arith.constant 10 : i32
      %add3A_753 = arith.addi %mul3A_751, %add3A_752 : i32
      %dma_start3A_754 = arith.constant 0 : i32
      %dma_start3A_755 = tpu.memref_slice %arg6[%add3A_753, %dma_start3A_754] : memref<128x300xf32, #tpu.memory_space<vmem>> -> memref<1x300xf32, #tpu.memory_space<vmem>>
      %dma_start3A_756 = arith.constant 0 : i32
      %dma_start3A_757 = tpu.memref_slice %arg2[%reduce_sum3A_749, %dma_start3A_756] : memref<30522x300xf32, #tpu.memory_space<hbm>> -> memref<1x300xf32, #tpu.memory_space<hbm>>
      %dma_start3A_758 = arith.constant 0 : i32
      %dma_start3A_759 = tpu.memref_slice %arg6[%add3A_753, %dma_start3A_758] : memref<128x300xf32, #tpu.memory_space<vmem>> -> memref<1x300xf32, #tpu.memory_space<vmem>>
      %dma_start3A_760 = arith.constant 0 : i32
      %dma_start3A_761 = tpu.memref_slice %arg2[%reduce_sum3A_749, %dma_start3A_760] : memref<30522x300xf32, #tpu.memory_space<hbm>> -> memref<1x300xf32, #tpu.memory_space<hbm>>
      tpu.enqueue_dma source(%dma_start3A_761 : memref<1x300xf32, #tpu.memory_space<hbm>>) target(%dma_start3A_759 : memref<1x300xf32, #tpu.memory_space<vmem>>) target_semaphore(%arg7 : memref<!tpu.dma_semaphore, #tpu.memory_space<semaphore_mem>>)
      %eq3A_762 = arith.constant 11 : i32
      %eq3A_763 = vector.broadcast %eq3A_762 : i32 to vector<16xi32>
      %eq3A_764 = arith.cmpi eq, %iota3A, %eq3A_763 : vector<16xi32>
      %jit3A_765 = arith.constant 0 : i32
      %broadcast_in_dim3A_766 = vector.broadcast %jit3A_765 : i32 to vector<16xi32>
      %select_n3A_767 = arith.select %eq3A_764, %get3A_519, %broadcast_in_dim3A_766 : vector<16xi1>, vector<16xi32>
      %reduce_sum3A_768 = arith.constant true
      %reduce_sum3A_769 = vector.broadcast %reduce_sum3A_768 : i1 to vector<16xi1>
      %reduce_sum3A_770 = tpu.scan <sum>, %select_n3A_767 masked %reduce_sum3A_769 : vector<16xi32>, vector<16xi1> -> vector<16xi32>
      %reduce_sum3A_771 = vector.extract %reduce_sum3A_770[15] : i32 from vector<16xi32>
      %mul3A_772 = arith.constant 16 : i32
      %mul3A_773 = arith.muli %scan3A_515, %mul3A_772 : i32
      %add3A_774 = arith.constant 11 : i32
      %add3A_775 = arith.addi %mul3A_773, %add3A_774 : i32
      %dma_start3A_776 = arith.constant 0 : i32
      %dma_start3A_777 = tpu.memref_slice %arg6[%add3A_775, %dma_start3A_776] : memref<128x300xf32, #tpu.memory_space<vmem>> -> memref<1x300xf32, #tpu.memory_space<vmem>>
      %dma_start3A_778 = arith.constant 0 : i32
      %dma_start3A_779 = tpu.memref_slice %arg2[%reduce_sum3A_771, %dma_start3A_778] : memref<30522x300xf32, #tpu.memory_space<hbm>> -> memref<1x300xf32, #tpu.memory_space<hbm>>
      %dma_start3A_780 = arith.constant 0 : i32
      %dma_start3A_781 = tpu.memref_slice %arg6[%add3A_775, %dma_start3A_780] : memref<128x300xf32, #tpu.memory_space<vmem>> -> memref<1x300xf32, #tpu.memory_space<vmem>>
      %dma_start3A_782 = arith.constant 0 : i32
      %dma_start3A_783 = tpu.memref_slice %arg2[%reduce_sum3A_771, %dma_start3A_782] : memref<30522x300xf32, #tpu.memory_space<hbm>> -> memref<1x300xf32, #tpu.memory_space<hbm>>
      tpu.enqueue_dma source(%dma_start3A_783 : memref<1x300xf32, #tpu.memory_space<hbm>>) target(%dma_start3A_781 : memref<1x300xf32, #tpu.memory_space<vmem>>) target_semaphore(%arg7 : memref<!tpu.dma_semaphore, #tpu.memory_space<semaphore_mem>>)
      %eq3A_784 = arith.constant 12 : i32
      %eq3A_785 = vector.broadcast %eq3A_784 : i32 to vector<16xi32>
      %eq3A_786 = arith.cmpi eq, %iota3A, %eq3A_785 : vector<16xi32>
      %jit3A_787 = arith.constant 0 : i32
      %broadcast_in_dim3A_788 = vector.broadcast %jit3A_787 : i32 to vector<16xi32>
      %select_n3A_789 = arith.select %eq3A_786, %get3A_519, %broadcast_in_dim3A_788 : vector<16xi1>, vector<16xi32>
      %reduce_sum3A_790 = arith.constant true
      %reduce_sum3A_791 = vector.broadcast %reduce_sum3A_790 : i1 to vector<16xi1>
      %reduce_sum3A_792 = tpu.scan <sum>, %select_n3A_789 masked %reduce_sum3A_791 : vector<16xi32>, vector<16xi1> -> vector<16xi32>
      %reduce_sum3A_793 = vector.extract %reduce_sum3A_792[15] : i32 from vector<16xi32>
      %mul3A_794 = arith.constant 16 : i32
      %mul3A_795 = arith.muli %scan3A_515, %mul3A_794 : i32
      %add3A_796 = arith.constant 12 : i32
      %add3A_797 = arith.addi %mul3A_795, %add3A_796 : i32
      %dma_start3A_798 = arith.constant 0 : i32
      %dma_start3A_799 = tpu.memref_slice %arg6[%add3A_797, %dma_start3A_798] : memref<128x300xf32, #tpu.memory_space<vmem>> -> memref<1x300xf32, #tpu.memory_space<vmem>>
      %dma_start3A_800 = arith.constant 0 : i32
      %dma_start3A_801 = tpu.memref_slice %arg2[%reduce_sum3A_793, %dma_start3A_800] : memref<30522x300xf32, #tpu.memory_space<hbm>> -> memref<1x300xf32, #tpu.memory_space<hbm>>
      %dma_start3A_802 = arith.constant 0 : i32
      %dma_start3A_803 = tpu.memref_slice %arg6[%add3A_797, %dma_start3A_802] : memref<128x300xf32, #tpu.memory_space<vmem>> -> memref<1x300xf32, #tpu.memory_space<vmem>>
      %dma_start3A_804 = arith.constant 0 : i32
      %dma_start3A_805 = tpu.memref_slice %arg2[%reduce_sum3A_793, %dma_start3A_804] : memref<30522x300xf32, #tpu.memory_space<hbm>> -> memref<1x300xf32, #tpu.memory_space<hbm>>
      tpu.enqueue_dma source(%dma_start3A_805 : memref<1x300xf32, #tpu.memory_space<hbm>>) target(%dma_start3A_803 : memref<1x300xf32, #tpu.memory_space<vmem>>) target_semaphore(%arg7 : memref<!tpu.dma_semaphore, #tpu.memory_space<semaphore_mem>>)
      %eq3A_806 = arith.constant 13 : i32
      %eq3A_807 = vector.broadcast %eq3A_806 : i32 to vector<16xi32>
      %eq3A_808 = arith.cmpi eq, %iota3A, %eq3A_807 : vector<16xi32>
      %jit3A_809 = arith.constant 0 : i32
      %broadcast_in_dim3A_810 = vector.broadcast %jit3A_809 : i32 to vector<16xi32>
      %select_n3A_811 = arith.select %eq3A_808, %get3A_519, %broadcast_in_dim3A_810 : vector<16xi1>, vector<16xi32>
      %reduce_sum3A_812 = arith.constant true
      %reduce_sum3A_813 = vector.broadcast %reduce_sum3A_812 : i1 to vector<16xi1>
      %reduce_sum3A_814 = tpu.scan <sum>, %select_n3A_811 masked %reduce_sum3A_813 : vector<16xi32>, vector<16xi1> -> vector<16xi32>
      %reduce_sum3A_815 = vector.extract %reduce_sum3A_814[15] : i32 from vector<16xi32>
      %mul3A_816 = arith.constant 16 : i32
      %mul3A_817 = arith.muli %scan3A_515, %mul3A_816 : i32
      %add3A_818 = arith.constant 13 : i32
      %add3A_819 = arith.addi %mul3A_817, %add3A_818 : i32
      %dma_start3A_820 = arith.constant 0 : i32
      %dma_start3A_821 = tpu.memref_slice %arg6[%add3A_819, %dma_start3A_820] : memref<128x300xf32, #tpu.memory_space<vmem>> -> memref<1x300xf32, #tpu.memory_space<vmem>>
      %dma_start3A_822 = arith.constant 0 : i32
      %dma_start3A_823 = tpu.memref_slice %arg2[%reduce_sum3A_815, %dma_start3A_822] : memref<30522x300xf32, #tpu.memory_space<hbm>> -> memref<1x300xf32, #tpu.memory_space<hbm>>
      %dma_start3A_824 = arith.constant 0 : i32
      %dma_start3A_825 = tpu.memref_slice %arg6[%add3A_819, %dma_start3A_824] : memref<128x300xf32, #tpu.memory_space<vmem>> -> memref<1x300xf32, #tpu.memory_space<vmem>>
      %dma_start3A_826 = arith.constant 0 : i32
      %dma_start3A_827 = tpu.memref_slice %arg2[%reduce_sum3A_815, %dma_start3A_826] : memref<30522x300xf32, #tpu.memory_space<hbm>> -> memref<1x300xf32, #tpu.memory_space<hbm>>
      tpu.enqueue_dma source(%dma_start3A_827 : memref<1x300xf32, #tpu.memory_space<hbm>>) target(%dma_start3A_825 : memref<1x300xf32, #tpu.memory_space<vmem>>) target_semaphore(%arg7 : memref<!tpu.dma_semaphore, #tpu.memory_space<semaphore_mem>>)
      %eq3A_828 = arith.constant 14 : i32
      %eq3A_829 = vector.broadcast %eq3A_828 : i32 to vector<16xi32>
      %eq3A_830 = arith.cmpi eq, %iota3A, %eq3A_829 : vector<16xi32>
      %jit3A_831 = arith.constant 0 : i32
      %broadcast_in_dim3A_832 = vector.broadcast %jit3A_831 : i32 to vector<16xi32>
      %select_n3A_833 = arith.select %eq3A_830, %get3A_519, %broadcast_in_dim3A_832 : vector<16xi1>, vector<16xi32>
      %reduce_sum3A_834 = arith.constant true
      %reduce_sum3A_835 = vector.broadcast %reduce_sum3A_834 : i1 to vector<16xi1>
      %reduce_sum3A_836 = tpu.scan <sum>, %select_n3A_833 masked %reduce_sum3A_835 : vector<16xi32>, vector<16xi1> -> vector<16xi32>
      %reduce_sum3A_837 = vector.extract %reduce_sum3A_836[15] : i32 from vector<16xi32>
      %mul3A_838 = arith.constant 16 : i32
      %mul3A_839 = arith.muli %scan3A_515, %mul3A_838 : i32
      %add3A_840 = arith.constant 14 : i32
      %add3A_841 = arith.addi %mul3A_839, %add3A_840 : i32
      %dma_start3A_842 = arith.constant 0 : i32
      %dma_start3A_843 = tpu.memref_slice %arg6[%add3A_841, %dma_start3A_842] : memref<128x300xf32, #tpu.memory_space<vmem>> -> memref<1x300xf32, #tpu.memory_space<vmem>>
      %dma_start3A_844 = arith.constant 0 : i32
      %dma_start3A_845 = tpu.memref_slice %arg2[%reduce_sum3A_837, %dma_start3A_844] : memref<30522x300xf32, #tpu.memory_space<hbm>> -> memref<1x300xf32, #tpu.memory_space<hbm>>
      %dma_start3A_846 = arith.constant 0 : i32
      %dma_start3A_847 = tpu.memref_slice %arg6[%add3A_841, %dma_start3A_846] : memref<128x300xf32, #tpu.memory_space<vmem>> -> memref<1x300xf32, #tpu.memory_space<vmem>>
      %dma_start3A_848 = arith.constant 0 : i32
      %dma_start3A_849 = tpu.memref_slice %arg2[%reduce_sum3A_837, %dma_start3A_848] : memref<30522x300xf32, #tpu.memory_space<hbm>> -> memref<1x300xf32, #tpu.memory_space<hbm>>
      tpu.enqueue_dma source(%dma_start3A_849 : memref<1x300xf32, #tpu.memory_space<hbm>>) target(%dma_start3A_847 : memref<1x300xf32, #tpu.memory_space<vmem>>) target_semaphore(%arg7 : memref<!tpu.dma_semaphore, #tpu.memory_space<semaphore_mem>>)
      %eq3A_850 = arith.constant 15 : i32
      %eq3A_851 = vector.broadcast %eq3A_850 : i32 to vector<16xi32>
      %eq3A_852 = arith.cmpi eq, %iota3A, %eq3A_851 : vector<16xi32>
      %jit3A_853 = arith.constant 0 : i32
      %broadcast_in_dim3A_854 = vector.broadcast %jit3A_853 : i32 to vector<16xi32>
      %select_n3A_855 = arith.select %eq3A_852, %get3A_519, %broadcast_in_dim3A_854 : vector<16xi1>, vector<16xi32>
      %reduce_sum3A_856 = arith.constant true
      %reduce_sum3A_857 = vector.broadcast %reduce_sum3A_856 : i1 to vector<16xi1>
      %reduce_sum3A_858 = tpu.scan <sum>, %select_n3A_855 masked %reduce_sum3A_857 : vector<16xi32>, vector<16xi1> -> vector<16xi32>
      %reduce_sum3A_859 = vector.extract %reduce_sum3A_858[15] : i32 from vector<16xi32>
      %mul3A_860 = arith.constant 16 : i32
      %mul3A_861 = arith.muli %scan3A_515, %mul3A_860 : i32
      %add3A_862 = arith.constant 15 : i32
      %add3A_863 = arith.addi %mul3A_861, %add3A_862 : i32
      %dma_start3A_864 = arith.constant 0 : i32
      %dma_start3A_865 = tpu.memref_slice %arg6[%add3A_863, %dma_start3A_864] : memref<128x300xf32, #tpu.memory_space<vmem>> -> memref<1x300xf32, #tpu.memory_space<vmem>>
      %dma_start3A_866 = arith.constant 0 : i32
      %dma_start3A_867 = tpu.memref_slice %arg2[%reduce_sum3A_859, %dma_start3A_866] : memref<30522x300xf32, #tpu.memory_space<hbm>> -> memref<1x300xf32, #tpu.memory_space<hbm>>
      %dma_start3A_868 = arith.constant 0 : i32
      %dma_start3A_869 = tpu.memref_slice %arg6[%add3A_863, %dma_start3A_868] : memref<128x300xf32, #tpu.memory_space<vmem>> -> memref<1x300xf32, #tpu.memory_space<vmem>>
      %dma_start3A_870 = arith.constant 0 : i32
      %dma_start3A_871 = tpu.memref_slice %arg2[%reduce_sum3A_859, %dma_start3A_870] : memref<30522x300xf32, #tpu.memory_space<hbm>> -> memref<1x300xf32, #tpu.memory_space<hbm>>
      tpu.enqueue_dma source(%dma_start3A_871 : memref<1x300xf32, #tpu.memory_space<hbm>>) target(%dma_start3A_869 : memref<1x300xf32, #tpu.memory_space<vmem>>) target_semaphore(%arg7 : memref<!tpu.dma_semaphore, #tpu.memory_space<semaphore_mem>>)
      %dma_wait3A_872 = arith.constant 0 : i32
      %dma_wait3A_873 = tpu.memref_slice %arg6[%add3A_533, %dma_wait3A_872] : memref<128x300xf32, #tpu.memory_space<vmem>> -> memref<1x300xf32, #tpu.memory_space<vmem>>
      %dma_wait3A_874 = arith.constant 0 : i32
      %dma_wait3A_875 = tpu.memref_slice %arg2[%reduce_sum3A_529, %dma_wait3A_874] : memref<30522x300xf32, #tpu.memory_space<hbm>> -> memref<1x300xf32, #tpu.memory_space<hbm>>
      %dma_wait3A_876 = arith.constant 0 : i32
      %dma_wait3A_877 = tpu.memref_slice %arg6[%add3A_533, %dma_wait3A_876] : memref<128x300xf32, #tpu.memory_space<vmem>> -> memref<1x300xf32, #tpu.memory_space<vmem>>
      %dma_wait3A_878 = arith.constant 0 : i32
      %dma_wait3A_879 = tpu.memref_slice %arg2[%reduce_sum3A_529, %dma_wait3A_878] : memref<30522x300xf32, #tpu.memory_space<hbm>> -> memref<1x300xf32, #tpu.memory_space<hbm>>
      tpu.wait_dma2 semaphore(%arg7 : memref<!tpu.dma_semaphore, #tpu.memory_space<semaphore_mem>>) src(%dma_wait3A_879 : memref<1x300xf32, #tpu.memory_space<hbm>>) dst(%dma_wait3A_877 : memref<1x300xf32, #tpu.memory_space<vmem>>)
      %dma_wait3A_880 = arith.constant 0 : i32
      %dma_wait3A_881 = tpu.memref_slice %arg6[%add3A_555, %dma_wait3A_880] : memref<128x300xf32, #tpu.memory_space<vmem>> -> memref<1x300xf32, #tpu.memory_space<vmem>>
      %dma_wait3A_882 = arith.constant 0 : i32
      %dma_wait3A_883 = tpu.memref_slice %arg2[%reduce_sum3A_551, %dma_wait3A_882] : memref<30522x300xf32, #tpu.memory_space<hbm>> -> memref<1x300xf32, #tpu.memory_space<hbm>>
      %dma_wait3A_884 = arith.constant 0 : i32
      %dma_wait3A_885 = tpu.memref_slice %arg6[%add3A_555, %dma_wait3A_884] : memref<128x300xf32, #tpu.memory_space<vmem>> -> memref<1x300xf32, #tpu.memory_space<vmem>>
      %dma_wait3A_886 = arith.constant 0 : i32
      %dma_wait3A_887 = tpu.memref_slice %arg2[%reduce_sum3A_551, %dma_wait3A_886] : memref<30522x300xf32, #tpu.memory_space<hbm>> -> memref<1x300xf32, #tpu.memory_space<hbm>>
      tpu.wait_dma2 semaphore(%arg7 : memref<!tpu.dma_semaphore, #tpu.memory_space<semaphore_mem>>) src(%dma_wait3A_887 : memref<1x300xf32, #tpu.memory_space<hbm>>) dst(%dma_wait3A_885 : memref<1x300xf32, #tpu.memory_space<vmem>>)
      %dma_wait3A_888 = arith.constant 0 : i32
      %dma_wait3A_889 = tpu.memref_slice %arg6[%add3A_577, %dma_wait3A_888] : memref<128x300xf32, #tpu.memory_space<vmem>> -> memref<1x300xf32, #tpu.memory_space<vmem>>
      %dma_wait3A_890 = arith.constant 0 : i32
      %dma_wait3A_891 = tpu.memref_slice %arg2[%reduce_sum3A_573, %dma_wait3A_890] : memref<30522x300xf32, #tpu.memory_space<hbm>> -> memref<1x300xf32, #tpu.memory_space<hbm>>
      %dma_wait3A_892 = arith.constant 0 : i32
      %dma_wait3A_893 = tpu.memref_slice %arg6[%add3A_577, %dma_wait3A_892] : memref<128x300xf32, #tpu.memory_space<vmem>> -> memref<1x300xf32, #tpu.memory_space<vmem>>
      %dma_wait3A_894 = arith.constant 0 : i32
      %dma_wait3A_895 = tpu.memref_slice %arg2[%reduce_sum3A_573, %dma_wait3A_894] : memref<30522x300xf32, #tpu.memory_space<hbm>> -> memref<1x300xf32, #tpu.memory_space<hbm>>
      tpu.wait_dma2 semaphore(%arg7 : memref<!tpu.dma_semaphore, #tpu.memory_space<semaphore_mem>>) src(%dma_wait3A_895 : memref<1x300xf32, #tpu.memory_space<hbm>>) dst(%dma_wait3A_893 : memref<1x300xf32, #tpu.memory_space<vmem>>)
      %dma_wait3A_896 = arith.constant 0 : i32
      %dma_wait3A_897 = tpu.memref_slice %arg6[%add3A_599, %dma_wait3A_896] : memref<128x300xf32, #tpu.memory_space<vmem>> -> memref<1x300xf32, #tpu.memory_space<vmem>>
      %dma_wait3A_898 = arith.constant 0 : i32
      %dma_wait3A_899 = tpu.memref_slice %arg2[%reduce_sum3A_595, %dma_wait3A_898] : memref<30522x300xf32, #tpu.memory_space<hbm>> -> memref<1x300xf32, #tpu.memory_space<hbm>>
      %dma_wait3A_900 = arith.constant 0 : i32
      %dma_wait3A_901 = tpu.memref_slice %arg6[%add3A_599, %dma_wait3A_900] : memref<128x300xf32, #tpu.memory_space<vmem>> -> memref<1x300xf32, #tpu.memory_space<vmem>>
      %dma_wait3A_902 = arith.constant 0 : i32
      %dma_wait3A_903 = tpu.memref_slice %arg2[%reduce_sum3A_595, %dma_wait3A_902] : memref<30522x300xf32, #tpu.memory_space<hbm>> -> memref<1x300xf32, #tpu.memory_space<hbm>>
      tpu.wait_dma2 semaphore(%arg7 : memref<!tpu.dma_semaphore, #tpu.memory_space<semaphore_mem>>) src(%dma_wait3A_903 : memref<1x300xf32, #tpu.memory_space<hbm>>) dst(%dma_wait3A_901 : memref<1x300xf32, #tpu.memory_space<vmem>>)
      %dma_wait3A_904 = arith.constant 0 : i32
      %dma_wait3A_905 = tpu.memref_slice %arg6[%add3A_621, %dma_wait3A_904] : memref<128x300xf32, #tpu.memory_space<vmem>> -> memref<1x300xf32, #tpu.memory_space<vmem>>
      %dma_wait3A_906 = arith.constant 0 : i32
      %dma_wait3A_907 = tpu.memref_slice %arg2[%reduce_sum3A_617, %dma_wait3A_906] : memref<30522x300xf32, #tpu.memory_space<hbm>> -> memref<1x300xf32, #tpu.memory_space<hbm>>
      %dma_wait3A_908 = arith.constant 0 : i32
      %dma_wait3A_909 = tpu.memref_slice %arg6[%add3A_621, %dma_wait3A_908] : memref<128x300xf32, #tpu.memory_space<vmem>> -> memref<1x300xf32, #tpu.memory_space<vmem>>
      %dma_wait3A_910 = arith.constant 0 : i32
      %dma_wait3A_911 = tpu.memref_slice %arg2[%reduce_sum3A_617, %dma_wait3A_910] : memref<30522x300xf32, #tpu.memory_space<hbm>> -> memref<1x300xf32, #tpu.memory_space<hbm>>
      tpu.wait_dma2 semaphore(%arg7 : memref<!tpu.dma_semaphore, #tpu.memory_space<semaphore_mem>>) src(%dma_wait3A_911 : memref<1x300xf32, #tpu.memory_space<hbm>>) dst(%dma_wait3A_909 : memref<1x300xf32, #tpu.memory_space<vmem>>)
      %dma_wait3A_912 = arith.constant 0 : i32
      %dma_wait3A_913 = tpu.memref_slice %arg6[%add3A_643, %dma_wait3A_912] : memref<128x300xf32, #tpu.memory_space<vmem>> -> memref<1x300xf32, #tpu.memory_space<vmem>>
      %dma_wait3A_914 = arith.constant 0 : i32
      %dma_wait3A_915 = tpu.memref_slice %arg2[%reduce_sum3A_639, %dma_wait3A_914] : memref<30522x300xf32, #tpu.memory_space<hbm>> -> memref<1x300xf32, #tpu.memory_space<hbm>>
      %dma_wait3A_916 = arith.constant 0 : i32
      %dma_wait3A_917 = tpu.memref_slice %arg6[%add3A_643, %dma_wait3A_916] : memref<128x300xf32, #tpu.memory_space<vmem>> -> memref<1x300xf32, #tpu.memory_space<vmem>>
      %dma_wait3A_918 = arith.constant 0 : i32
      %dma_wait3A_919 = tpu.memref_slice %arg2[%reduce_sum3A_639, %dma_wait3A_918] : memref<30522x300xf32, #tpu.memory_space<hbm>> -> memref<1x300xf32, #tpu.memory_space<hbm>>
      tpu.wait_dma2 semaphore(%arg7 : memref<!tpu.dma_semaphore, #tpu.memory_space<semaphore_mem>>) src(%dma_wait3A_919 : memref<1x300xf32, #tpu.memory_space<hbm>>) dst(%dma_wait3A_917 : memref<1x300xf32, #tpu.memory_space<vmem>>)
      %dma_wait3A_920 = arith.constant 0 : i32
      %dma_wait3A_921 = tpu.memref_slice %arg6[%add3A_665, %dma_wait3A_920] : memref<128x300xf32, #tpu.memory_space<vmem>> -> memref<1x300xf32, #tpu.memory_space<vmem>>
      %dma_wait3A_922 = arith.constant 0 : i32
      %dma_wait3A_923 = tpu.memref_slice %arg2[%reduce_sum3A_661, %dma_wait3A_922] : memref<30522x300xf32, #tpu.memory_space<hbm>> -> memref<1x300xf32, #tpu.memory_space<hbm>>
      %dma_wait3A_924 = arith.constant 0 : i32
      %dma_wait3A_925 = tpu.memref_slice %arg6[%add3A_665, %dma_wait3A_924] : memref<128x300xf32, #tpu.memory_space<vmem>> -> memref<1x300xf32, #tpu.memory_space<vmem>>
      %dma_wait3A_926 = arith.constant 0 : i32
      %dma_wait3A_927 = tpu.memref_slice %arg2[%reduce_sum3A_661, %dma_wait3A_926] : memref<30522x300xf32, #tpu.memory_space<hbm>> -> memref<1x300xf32, #tpu.memory_space<hbm>>
      tpu.wait_dma2 semaphore(%arg7 : memref<!tpu.dma_semaphore, #tpu.memory_space<semaphore_mem>>) src(%dma_wait3A_927 : memref<1x300xf32, #tpu.memory_space<hbm>>) dst(%dma_wait3A_925 : memref<1x300xf32, #tpu.memory_space<vmem>>)
      %dma_wait3A_928 = arith.constant 0 : i32
      %dma_wait3A_929 = tpu.memref_slice %arg6[%add3A_687, %dma_wait3A_928] : memref<128x300xf32, #tpu.memory_space<vmem>> -> memref<1x300xf32, #tpu.memory_space<vmem>>
      %dma_wait3A_930 = arith.constant 0 : i32
      %dma_wait3A_931 = tpu.memref_slice %arg2[%reduce_sum3A_683, %dma_wait3A_930] : memref<30522x300xf32, #tpu.memory_space<hbm>> -> memref<1x300xf32, #tpu.memory_space<hbm>>
      %dma_wait3A_932 = arith.constant 0 : i32
      %dma_wait3A_933 = tpu.memref_slice %arg6[%add3A_687, %dma_wait3A_932] : memref<128x300xf32, #tpu.memory_space<vmem>> -> memref<1x300xf32, #tpu.memory_space<vmem>>
      %dma_wait3A_934 = arith.constant 0 : i32
      %dma_wait3A_935 = tpu.memref_slice %arg2[%reduce_sum3A_683, %dma_wait3A_934] : memref<30522x300xf32, #tpu.memory_space<hbm>> -> memref<1x300xf32, #tpu.memory_space<hbm>>
      tpu.wait_dma2 semaphore(%arg7 : memref<!tpu.dma_semaphore, #tpu.memory_space<semaphore_mem>>) src(%dma_wait3A_935 : memref<1x300xf32, #tpu.memory_space<hbm>>) dst(%dma_wait3A_933 : memref<1x300xf32, #tpu.memory_space<vmem>>)
      %dma_wait3A_936 = arith.constant 0 : i32
      %dma_wait3A_937 = tpu.memref_slice %arg6[%add3A_709, %dma_wait3A_936] : memref<128x300xf32, #tpu.memory_space<vmem>> -> memref<1x300xf32, #tpu.memory_space<vmem>>
      %dma_wait3A_938 = arith.constant 0 : i32
      %dma_wait3A_939 = tpu.memref_slice %arg2[%reduce_sum3A_705, %dma_wait3A_938] : memref<30522x300xf32, #tpu.memory_space<hbm>> -> memref<1x300xf32, #tpu.memory_space<hbm>>
      %dma_wait3A_940 = arith.constant 0 : i32
      %dma_wait3A_941 = tpu.memref_slice %arg6[%add3A_709, %dma_wait3A_940] : memref<128x300xf32, #tpu.memory_space<vmem>> -> memref<1x300xf32, #tpu.memory_space<vmem>>
      %dma_wait3A_942 = arith.constant 0 : i32
      %dma_wait3A_943 = tpu.memref_slice %arg2[%reduce_sum3A_705, %dma_wait3A_942] : memref<30522x300xf32, #tpu.memory_space<hbm>> -> memref<1x300xf32, #tpu.memory_space<hbm>>
      tpu.wait_dma2 semaphore(%arg7 : memref<!tpu.dma_semaphore, #tpu.memory_space<semaphore_mem>>) src(%dma_wait3A_943 : memref<1x300xf32, #tpu.memory_space<hbm>>) dst(%dma_wait3A_941 : memref<1x300xf32, #tpu.memory_space<vmem>>)
      %dma_wait3A_944 = arith.constant 0 : i32
      %dma_wait3A_945 = tpu.memref_slice %arg6[%add3A_731, %dma_wait3A_944] : memref<128x300xf32, #tpu.memory_space<vmem>> -> memref<1x300xf32, #tpu.memory_space<vmem>>
      %dma_wait3A_946 = arith.constant 0 : i32
      %dma_wait3A_947 = tpu.memref_slice %arg2[%reduce_sum3A_727, %dma_wait3A_946] : memref<30522x300xf32, #tpu.memory_space<hbm>> -> memref<1x300xf32, #tpu.memory_space<hbm>>
      %dma_wait3A_948 = arith.constant 0 : i32
      %dma_wait3A_949 = tpu.memref_slice %arg6[%add3A_731, %dma_wait3A_948] : memref<128x300xf32, #tpu.memory_space<vmem>> -> memref<1x300xf32, #tpu.memory_space<vmem>>
      %dma_wait3A_950 = arith.constant 0 : i32
      %dma_wait3A_951 = tpu.memref_slice %arg2[%reduce_sum3A_727, %dma_wait3A_950] : memref<30522x300xf32, #tpu.memory_space<hbm>> -> memref<1x300xf32, #tpu.memory_space<hbm>>
      tpu.wait_dma2 semaphore(%arg7 : memref<!tpu.dma_semaphore, #tpu.memory_space<semaphore_mem>>) src(%dma_wait3A_951 : memref<1x300xf32, #tpu.memory_space<hbm>>) dst(%dma_wait3A_949 : memref<1x300xf32, #tpu.memory_space<vmem>>)
      %dma_wait3A_952 = arith.constant 0 : i32
      %dma_wait3A_953 = tpu.memref_slice %arg6[%add3A_753, %dma_wait3A_952] : memref<128x300xf32, #tpu.memory_space<vmem>> -> memref<1x300xf32, #tpu.memory_space<vmem>>
      %dma_wait3A_954 = arith.constant 0 : i32
      %dma_wait3A_955 = tpu.memref_slice %arg2[%reduce_sum3A_749, %dma_wait3A_954] : memref<30522x300xf32, #tpu.memory_space<hbm>> -> memref<1x300xf32, #tpu.memory_space<hbm>>
      %dma_wait3A_956 = arith.constant 0 : i32
      %dma_wait3A_957 = tpu.memref_slice %arg6[%add3A_753, %dma_wait3A_956] : memref<128x300xf32, #tpu.memory_space<vmem>> -> memref<1x300xf32, #tpu.memory_space<vmem>>
      %dma_wait3A_958 = arith.constant 0 : i32
      %dma_wait3A_959 = tpu.memref_slice %arg2[%reduce_sum3A_749, %dma_wait3A_958] : memref<30522x300xf32, #tpu.memory_space<hbm>> -> memref<1x300xf32, #tpu.memory_space<hbm>>
      tpu.wait_dma2 semaphore(%arg7 : memref<!tpu.dma_semaphore, #tpu.memory_space<semaphore_mem>>) src(%dma_wait3A_959 : memref<1x300xf32, #tpu.memory_space<hbm>>) dst(%dma_wait3A_957 : memref<1x300xf32, #tpu.memory_space<vmem>>)
      %dma_wait3A_960 = arith.constant 0 : i32
      %dma_wait3A_961 = tpu.memref_slice %arg6[%add3A_775, %dma_wait3A_960] : memref<128x300xf32, #tpu.memory_space<vmem>> -> memref<1x300xf32, #tpu.memory_space<vmem>>
      %dma_wait3A_962 = arith.constant 0 : i32
      %dma_wait3A_963 = tpu.memref_slice %arg2[%reduce_sum3A_771, %dma_wait3A_962] : memref<30522x300xf32, #tpu.memory_space<hbm>> -> memref<1x300xf32, #tpu.memory_space<hbm>>
      %dma_wait3A_964 = arith.constant 0 : i32
      %dma_wait3A_965 = tpu.memref_slice %arg6[%add3A_775, %dma_wait3A_964] : memref<128x300xf32, #tpu.memory_space<vmem>> -> memref<1x300xf32, #tpu.memory_space<vmem>>
      %dma_wait3A_966 = arith.constant 0 : i32
      %dma_wait3A_967 = tpu.memref_slice %arg2[%reduce_sum3A_771, %dma_wait3A_966] : memref<30522x300xf32, #tpu.memory_space<hbm>> -> memref<1x300xf32, #tpu.memory_space<hbm>>
      tpu.wait_dma2 semaphore(%arg7 : memref<!tpu.dma_semaphore, #tpu.memory_space<semaphore_mem>>) src(%dma_wait3A_967 : memref<1x300xf32, #tpu.memory_space<hbm>>) dst(%dma_wait3A_965 : memref<1x300xf32, #tpu.memory_space<vmem>>)
      %dma_wait3A_968 = arith.constant 0 : i32
      %dma_wait3A_969 = tpu.memref_slice %arg6[%add3A_797, %dma_wait3A_968] : memref<128x300xf32, #tpu.memory_space<vmem>> -> memref<1x300xf32, #tpu.memory_space<vmem>>
      %dma_wait3A_970 = arith.constant 0 : i32
      %dma_wait3A_971 = tpu.memref_slice %arg2[%reduce_sum3A_793, %dma_wait3A_970] : memref<30522x300xf32, #tpu.memory_space<hbm>> -> memref<1x300xf32, #tpu.memory_space<hbm>>
      %dma_wait3A_972 = arith.constant 0 : i32
      %dma_wait3A_973 = tpu.memref_slice %arg6[%add3A_797, %dma_wait3A_972] : memref<128x300xf32, #tpu.memory_space<vmem>> -> memref<1x300xf32, #tpu.memory_space<vmem>>
      %dma_wait3A_974 = arith.constant 0 : i32
      %dma_wait3A_975 = tpu.memref_slice %arg2[%reduce_sum3A_793, %dma_wait3A_974] : memref<30522x300xf32, #tpu.memory_space<hbm>> -> memref<1x300xf32, #tpu.memory_space<hbm>>
      tpu.wait_dma2 semaphore(%arg7 : memref<!tpu.dma_semaphore, #tpu.memory_space<semaphore_mem>>) src(%dma_wait3A_975 : memref<1x300xf32, #tpu.memory_space<hbm>>) dst(%dma_wait3A_973 : memref<1x300xf32, #tpu.memory_space<vmem>>)
      %dma_wait3A_976 = arith.constant 0 : i32
      %dma_wait3A_977 = tpu.memref_slice %arg6[%add3A_819, %dma_wait3A_976] : memref<128x300xf32, #tpu.memory_space<vmem>> -> memref<1x300xf32, #tpu.memory_space<vmem>>
      %dma_wait3A_978 = arith.constant 0 : i32
      %dma_wait3A_979 = tpu.memref_slice %arg2[%reduce_sum3A_815, %dma_wait3A_978] : memref<30522x300xf32, #tpu.memory_space<hbm>> -> memref<1x300xf32, #tpu.memory_space<hbm>>
      %dma_wait3A_980 = arith.constant 0 : i32
      %dma_wait3A_981 = tpu.memref_slice %arg6[%add3A_819, %dma_wait3A_980] : memref<128x300xf32, #tpu.memory_space<vmem>> -> memref<1x300xf32, #tpu.memory_space<vmem>>
      %dma_wait3A_982 = arith.constant 0 : i32
      %dma_wait3A_983 = tpu.memref_slice %arg2[%reduce_sum3A_815, %dma_wait3A_982] : memref<30522x300xf32, #tpu.memory_space<hbm>> -> memref<1x300xf32, #tpu.memory_space<hbm>>
      tpu.wait_dma2 semaphore(%arg7 : memref<!tpu.dma_semaphore, #tpu.memory_space<semaphore_mem>>) src(%dma_wait3A_983 : memref<1x300xf32, #tpu.memory_space<hbm>>) dst(%dma_wait3A_981 : memref<1x300xf32, #tpu.memory_space<vmem>>)
      %dma_wait3A_984 = arith.constant 0 : i32
      %dma_wait3A_985 = tpu.memref_slice %arg6[%add3A_841, %dma_wait3A_984] : memref<128x300xf32, #tpu.memory_space<vmem>> -> memref<1x300xf32, #tpu.memory_space<vmem>>
      %dma_wait3A_986 = arith.constant 0 : i32
      %dma_wait3A_987 = tpu.memref_slice %arg2[%reduce_sum3A_837, %dma_wait3A_986] : memref<30522x300xf32, #tpu.memory_space<hbm>> -> memref<1x300xf32, #tpu.memory_space<hbm>>
      %dma_wait3A_988 = arith.constant 0 : i32
      %dma_wait3A_989 = tpu.memref_slice %arg6[%add3A_841, %dma_wait3A_988] : memref<128x300xf32, #tpu.memory_space<vmem>> -> memref<1x300xf32, #tpu.memory_space<vmem>>
      %dma_wait3A_990 = arith.constant 0 : i32
      %dma_wait3A_991 = tpu.memref_slice %arg2[%reduce_sum3A_837, %dma_wait3A_990] : memref<30522x300xf32, #tpu.memory_space<hbm>> -> memref<1x300xf32, #tpu.memory_space<hbm>>
      tpu.wait_dma2 semaphore(%arg7 : memref<!tpu.dma_semaphore, #tpu.memory_space<semaphore_mem>>) src(%dma_wait3A_991 : memref<1x300xf32, #tpu.memory_space<hbm>>) dst(%dma_wait3A_989 : memref<1x300xf32, #tpu.memory_space<vmem>>)
      %dma_wait3A_992 = arith.constant 0 : i32
      %dma_wait3A_993 = tpu.memref_slice %arg6[%add3A_863, %dma_wait3A_992] : memref<128x300xf32, #tpu.memory_space<vmem>> -> memref<1x300xf32, #tpu.memory_space<vmem>>
      %dma_wait3A_994 = arith.constant 0 : i32
      %dma_wait3A_995 = tpu.memref_slice %arg2[%reduce_sum3A_859, %dma_wait3A_994] : memref<30522x300xf32, #tpu.memory_space<hbm>> -> memref<1x300xf32, #tpu.memory_space<hbm>>
      %dma_wait3A_996 = arith.constant 0 : i32
      %dma_wait3A_997 = tpu.memref_slice %arg6[%add3A_863, %dma_wait3A_996] : memref<128x300xf32, #tpu.memory_space<vmem>> -> memref<1x300xf32, #tpu.memory_space<vmem>>
      %dma_wait3A_998 = arith.constant 0 : i32
      %dma_wait3A_999 = tpu.memref_slice %arg2[%reduce_sum3A_859, %dma_wait3A_998] : memref<30522x300xf32, #tpu.memory_space<hbm>> -> memref<1x300xf32, #tpu.memory_space<hbm>>
      tpu.wait_dma2 semaphore(%arg7 : memref<!tpu.dma_semaphore, #tpu.memory_space<semaphore_mem>>) src(%dma_wait3A_999 : memref<1x300xf32, #tpu.memory_space<hbm>>) dst(%dma_wait3A_997 : memref<1x300xf32, #tpu.memory_space<vmem>>)
    }
    %scan3A_355 = arith.constant 7 : i32
    %dma_wait3A = arith.constant 0 : i32
    %dma_wait3A_356 = arith.constant 0 : i32
    %dma_wait3A_357 = tpu.memref_slice %arg6[%dma_wait3A, %dma_wait3A_356] : memref<128x300xf32, #tpu.memory_space<vmem>> -> memref<1x300xf32, #tpu.memory_space<vmem>>
    %dma_wait3A_358 = arith.constant 0 : i32
    %dma_wait3A_359 = tpu.memref_slice %arg2[%reduce_sum3A_41, %dma_wait3A_358] : memref<30522x300xf32, #tpu.memory_space<hbm>> -> memref<1x300xf32, #tpu.memory_space<hbm>>
    %dma_wait3A_360 = arith.constant 0 : i32
    %dma_wait3A_361 = arith.constant 0 : i32
    %dma_wait3A_362 = tpu.memref_slice %arg6[%dma_wait3A_360, %dma_wait3A_361] : memref<128x300xf32, #tpu.memory_space<vmem>> -> memref<1x300xf32, #tpu.memory_space<vmem>>
    %dma_wait3A_363 = arith.constant 0 : i32
    %dma_wait3A_364 = tpu.memref_slice %arg2[%reduce_sum3A_41, %dma_wait3A_363] : memref<30522x300xf32, #tpu.memory_space<hbm>> -> memref<1x300xf32, #tpu.memory_space<hbm>>
    tpu.wait_dma2 semaphore(%arg7 : memref<!tpu.dma_semaphore, #tpu.memory_space<semaphore_mem>>) src(%dma_wait3A_364 : memref<1x300xf32, #tpu.memory_space<hbm>>) dst(%dma_wait3A_362 : memref<1x300xf32, #tpu.memory_space<vmem>>)
    %dma_wait3A_365 = arith.constant 1 : i32
    %dma_wait3A_366 = arith.constant 0 : i32
    %dma_wait3A_367 = tpu.memref_slice %arg6[%dma_wait3A_365, %dma_wait3A_366] : memref<128x300xf32, #tpu.memory_space<vmem>> -> memref<1x300xf32, #tpu.memory_space<vmem>>
    %dma_wait3A_368 = arith.constant 0 : i32
    %dma_wait3A_369 = tpu.memref_slice %arg2[%reduce_sum3A_60, %dma_wait3A_368] : memref<30522x300xf32, #tpu.memory_space<hbm>> -> memref<1x300xf32, #tpu.memory_space<hbm>>
    %dma_wait3A_370 = arith.constant 1 : i32
    %dma_wait3A_371 = arith.constant 0 : i32
    %dma_wait3A_372 = tpu.memref_slice %arg6[%dma_wait3A_370, %dma_wait3A_371] : memref<128x300xf32, #tpu.memory_space<vmem>> -> memref<1x300xf32, #tpu.memory_space<vmem>>
    %dma_wait3A_373 = arith.constant 0 : i32
    %dma_wait3A_374 = tpu.memref_slice %arg2[%reduce_sum3A_60, %dma_wait3A_373] : memref<30522x300xf32, #tpu.memory_space<hbm>> -> memref<1x300xf32, #tpu.memory_space<hbm>>
    tpu.wait_dma2 semaphore(%arg7 : memref<!tpu.dma_semaphore, #tpu.memory_space<semaphore_mem>>) src(%dma_wait3A_374 : memref<1x300xf32, #tpu.memory_space<hbm>>) dst(%dma_wait3A_372 : memref<1x300xf32, #tpu.memory_space<vmem>>)
    %dma_wait3A_375 = arith.constant 2 : i32
    %dma_wait3A_376 = arith.constant 0 : i32
    %dma_wait3A_377 = tpu.memref_slice %arg6[%dma_wait3A_375, %dma_wait3A_376] : memref<128x300xf32, #tpu.memory_space<vmem>> -> memref<1x300xf32, #tpu.memory_space<vmem>>
    %dma_wait3A_378 = arith.constant 0 : i32
    %dma_wait3A_379 = tpu.memref_slice %arg2[%reduce_sum3A_80, %dma_wait3A_378] : memref<30522x300xf32, #tpu.memory_space<hbm>> -> memref<1x300xf32, #tpu.memory_space<hbm>>
    %dma_wait3A_380 = arith.constant 2 : i32
    %dma_wait3A_381 = arith.constant 0 : i32
    %dma_wait3A_382 = tpu.memref_slice %arg6[%dma_wait3A_380, %dma_wait3A_381] : memref<128x300xf32, #tpu.memory_space<vmem>> -> memref<1x300xf32, #tpu.memory_space<vmem>>
    %dma_wait3A_383 = arith.constant 0 : i32
    %dma_wait3A_384 = tpu.memref_slice %arg2[%reduce_sum3A_80, %dma_wait3A_383] : memref<30522x300xf32, #tpu.memory_space<hbm>> -> memref<1x300xf32, #tpu.memory_space<hbm>>
    tpu.wait_dma2 semaphore(%arg7 : memref<!tpu.dma_semaphore, #tpu.memory_space<semaphore_mem>>) src(%dma_wait3A_384 : memref<1x300xf32, #tpu.memory_space<hbm>>) dst(%dma_wait3A_382 : memref<1x300xf32, #tpu.memory_space<vmem>>)
    %dma_wait3A_385 = arith.constant 3 : i32
    %dma_wait3A_386 = arith.constant 0 : i32
    %dma_wait3A_387 = tpu.memref_slice %arg6[%dma_wait3A_385, %dma_wait3A_386] : memref<128x300xf32, #tpu.memory_space<vmem>> -> memref<1x300xf32, #tpu.memory_space<vmem>>
    %dma_wait3A_388 = arith.constant 0 : i32
    %dma_wait3A_389 = tpu.memref_slice %arg2[%reduce_sum3A_100, %dma_wait3A_388] : memref<30522x300xf32, #tpu.memory_space<hbm>> -> memref<1x300xf32, #tpu.memory_space<hbm>>
    %dma_wait3A_390 = arith.constant 3 : i32
    %dma_wait3A_391 = arith.constant 0 : i32
    %dma_wait3A_392 = tpu.memref_slice %arg6[%dma_wait3A_390, %dma_wait3A_391] : memref<128x300xf32, #tpu.memory_space<vmem>> -> memref<1x300xf32, #tpu.memory_space<vmem>>
    %dma_wait3A_393 = arith.constant 0 : i32
    %dma_wait3A_394 = tpu.memref_slice %arg2[%reduce_sum3A_100, %dma_wait3A_393] : memref<30522x300xf32, #tpu.memory_space<hbm>> -> memref<1x300xf32, #tpu.memory_space<hbm>>
    tpu.wait_dma2 semaphore(%arg7 : memref<!tpu.dma_semaphore, #tpu.memory_space<semaphore_mem>>) src(%dma_wait3A_394 : memref<1x300xf32, #tpu.memory_space<hbm>>) dst(%dma_wait3A_392 : memref<1x300xf32, #tpu.memory_space<vmem>>)
    %dma_wait3A_395 = arith.constant 4 : i32
    %dma_wait3A_396 = arith.constant 0 : i32
    %dma_wait3A_397 = tpu.memref_slice %arg6[%dma_wait3A_395, %dma_wait3A_396] : memref<128x300xf32, #tpu.memory_space<vmem>> -> memref<1x300xf32, #tpu.memory_space<vmem>>
    %dma_wait3A_398 = arith.constant 0 : i32
    %dma_wait3A_399 = tpu.memref_slice %arg2[%reduce_sum3A_120, %dma_wait3A_398] : memref<30522x300xf32, #tpu.memory_space<hbm>> -> memref<1x300xf32, #tpu.memory_space<hbm>>
    %dma_wait3A_400 = arith.constant 4 : i32
    %dma_wait3A_401 = arith.constant 0 : i32
    %dma_wait3A_402 = tpu.memref_slice %arg6[%dma_wait3A_400, %dma_wait3A_401] : memref<128x300xf32, #tpu.memory_space<vmem>> -> memref<1x300xf32, #tpu.memory_space<vmem>>
    %dma_wait3A_403 = arith.constant 0 : i32
    %dma_wait3A_404 = tpu.memref_slice %arg2[%reduce_sum3A_120, %dma_wait3A_403] : memref<30522x300xf32, #tpu.memory_space<hbm>> -> memref<1x300xf32, #tpu.memory_space<hbm>>
    tpu.wait_dma2 semaphore(%arg7 : memref<!tpu.dma_semaphore, #tpu.memory_space<semaphore_mem>>) src(%dma_wait3A_404 : memref<1x300xf32, #tpu.memory_space<hbm>>) dst(%dma_wait3A_402 : memref<1x300xf32, #tpu.memory_space<vmem>>)
    %dma_wait3A_405 = arith.constant 5 : i32
    %dma_wait3A_406 = arith.constant 0 : i32
    %dma_wait3A_407 = tpu.memref_slice %arg6[%dma_wait3A_405, %dma_wait3A_406] : memref<128x300xf32, #tpu.memory_space<vmem>> -> memref<1x300xf32, #tpu.memory_space<vmem>>
    %dma_wait3A_408 = arith.constant 0 : i32
    %dma_wait3A_409 = tpu.memref_slice %arg2[%reduce_sum3A_140, %dma_wait3A_408] : memref<30522x300xf32, #tpu.memory_space<hbm>> -> memref<1x300xf32, #tpu.memory_space<hbm>>
    %dma_wait3A_410 = arith.constant 5 : i32
    %dma_wait3A_411 = arith.constant 0 : i32
    %dma_wait3A_412 = tpu.memref_slice %arg6[%dma_wait3A_410, %dma_wait3A_411] : memref<128x300xf32, #tpu.memory_space<vmem>> -> memref<1x300xf32, #tpu.memory_space<vmem>>
    %dma_wait3A_413 = arith.constant 0 : i32
    %dma_wait3A_414 = tpu.memref_slice %arg2[%reduce_sum3A_140, %dma_wait3A_413] : memref<30522x300xf32, #tpu.memory_space<hbm>> -> memref<1x300xf32, #tpu.memory_space<hbm>>
    tpu.wait_dma2 semaphore(%arg7 : memref<!tpu.dma_semaphore, #tpu.memory_space<semaphore_mem>>) src(%dma_wait3A_414 : memref<1x300xf32, #tpu.memory_space<hbm>>) dst(%dma_wait3A_412 : memref<1x300xf32, #tpu.memory_space<vmem>>)
    %dma_wait3A_415 = arith.constant 6 : i32
    %dma_wait3A_416 = arith.constant 0 : i32
    %dma_wait3A_417 = tpu.memref_slice %arg6[%dma_wait3A_415, %dma_wait3A_416] : memref<128x300xf32, #tpu.memory_space<vmem>> -> memref<1x300xf32, #tpu.memory_space<vmem>>
    %dma_wait3A_418 = arith.constant 0 : i32
    %dma_wait3A_419 = tpu.memref_slice %arg2[%reduce_sum3A_160, %dma_wait3A_418] : memref<30522x300xf32, #tpu.memory_space<hbm>> -> memref<1x300xf32, #tpu.memory_space<hbm>>
    %dma_wait3A_420 = arith.constant 6 : i32
    %dma_wait3A_421 = arith.constant 0 : i32
    %dma_wait3A_422 = tpu.memref_slice %arg6[%dma_wait3A_420, %dma_wait3A_421] : memref<128x300xf32, #tpu.memory_space<vmem>> -> memref<1x300xf32, #tpu.memory_space<vmem>>
    %dma_wait3A_423 = arith.constant 0 : i32
    %dma_wait3A_424 = tpu.memref_slice %arg2[%reduce_sum3A_160, %dma_wait3A_423] : memref<30522x300xf32, #tpu.memory_space<hbm>> -> memref<1x300xf32, #tpu.memory_space<hbm>>
    tpu.wait_dma2 semaphore(%arg7 : memref<!tpu.dma_semaphore, #tpu.memory_space<semaphore_mem>>) src(%dma_wait3A_424 : memref<1x300xf32, #tpu.memory_space<hbm>>) dst(%dma_wait3A_422 : memref<1x300xf32, #tpu.memory_space<vmem>>)
    %dma_wait3A_425 = arith.constant 7 : i32
    %dma_wait3A_426 = arith.constant 0 : i32
    %dma_wait3A_427 = tpu.memref_slice %arg6[%dma_wait3A_425, %dma_wait3A_426] : memref<128x300xf32, #tpu.memory_space<vmem>> -> memref<1x300xf32, #tpu.memory_space<vmem>>
    %dma_wait3A_428 = arith.constant 0 : i32
    %dma_wait3A_429 = tpu.memref_slice %arg2[%reduce_sum3A_180, %dma_wait3A_428] : memref<30522x300xf32, #tpu.memory_space<hbm>> -> memref<1x300xf32, #tpu.memory_space<hbm>>
    %dma_wait3A_430 = arith.constant 7 : i32
    %dma_wait3A_431 = arith.constant 0 : i32
    %dma_wait3A_432 = tpu.memref_slice %arg6[%dma_wait3A_430, %dma_wait3A_431] : memref<128x300xf32, #tpu.memory_space<vmem>> -> memref<1x300xf32, #tpu.memory_space<vmem>>
    %dma_wait3A_433 = arith.constant 0 : i32
    %dma_wait3A_434 = tpu.memref_slice %arg2[%reduce_sum3A_180, %dma_wait3A_433] : memref<30522x300xf32, #tpu.memory_space<hbm>> -> memref<1x300xf32, #tpu.memory_space<hbm>>
    tpu.wait_dma2 semaphore(%arg7 : memref<!tpu.dma_semaphore, #tpu.memory_space<semaphore_mem>>) src(%dma_wait3A_434 : memref<1x300xf32, #tpu.memory_space<hbm>>) dst(%dma_wait3A_432 : memref<1x300xf32, #tpu.memory_space<vmem>>)
    %dma_wait3A_435 = arith.constant 8 : i32
    %dma_wait3A_436 = arith.constant 0 : i32
    %dma_wait3A_437 = tpu.memref_slice %arg6[%dma_wait3A_435, %dma_wait3A_436] : memref<128x300xf32, #tpu.memory_space<vmem>> -> memref<1x300xf32, #tpu.memory_space<vmem>>
    %dma_wait3A_438 = arith.constant 0 : i32
    %dma_wait3A_439 = tpu.memref_slice %arg2[%reduce_sum3A_200, %dma_wait3A_438] : memref<30522x300xf32, #tpu.memory_space<hbm>> -> memref<1x300xf32, #tpu.memory_space<hbm>>
    %dma_wait3A_440 = arith.constant 8 : i32
    %dma_wait3A_441 = arith.constant 0 : i32
    %dma_wait3A_442 = tpu.memref_slice %arg6[%dma_wait3A_440, %dma_wait3A_441] : memref<128x300xf32, #tpu.memory_space<vmem>> -> memref<1x300xf32, #tpu.memory_space<vmem>>
    %dma_wait3A_443 = arith.constant 0 : i32
    %dma_wait3A_444 = tpu.memref_slice %arg2[%reduce_sum3A_200, %dma_wait3A_443] : memref<30522x300xf32, #tpu.memory_space<hbm>> -> memref<1x300xf32, #tpu.memory_space<hbm>>
    tpu.wait_dma2 semaphore(%arg7 : memref<!tpu.dma_semaphore, #tpu.memory_space<semaphore_mem>>) src(%dma_wait3A_444 : memref<1x300xf32, #tpu.memory_space<hbm>>) dst(%dma_wait3A_442 : memref<1x300xf32, #tpu.memory_space<vmem>>)
    %dma_wait3A_445 = arith.constant 9 : i32
    %dma_wait3A_446 = arith.constant 0 : i32
    %dma_wait3A_447 = tpu.memref_slice %arg6[%dma_wait3A_445, %dma_wait3A_446] : memref<128x300xf32, #tpu.memory_space<vmem>> -> memref<1x300xf32, #tpu.memory_space<vmem>>
    %dma_wait3A_448 = arith.constant 0 : i32
    %dma_wait3A_449 = tpu.memref_slice %arg2[%reduce_sum3A_220, %dma_wait3A_448] : memref<30522x300xf32, #tpu.memory_space<hbm>> -> memref<1x300xf32, #tpu.memory_space<hbm>>
    %dma_wait3A_450 = arith.constant 9 : i32
    %dma_wait3A_451 = arith.constant 0 : i32
    %dma_wait3A_452 = tpu.memref_slice %arg6[%dma_wait3A_450, %dma_wait3A_451] : memref<128x300xf32, #tpu.memory_space<vmem>> -> memref<1x300xf32, #tpu.memory_space<vmem>>
    %dma_wait3A_453 = arith.constant 0 : i32
    %dma_wait3A_454 = tpu.memref_slice %arg2[%reduce_sum3A_220, %dma_wait3A_453] : memref<30522x300xf32, #tpu.memory_space<hbm>> -> memref<1x300xf32, #tpu.memory_space<hbm>>
    tpu.wait_dma2 semaphore(%arg7 : memref<!tpu.dma_semaphore, #tpu.memory_space<semaphore_mem>>) src(%dma_wait3A_454 : memref<1x300xf32, #tpu.memory_space<hbm>>) dst(%dma_wait3A_452 : memref<1x300xf32, #tpu.memory_space<vmem>>)
    %dma_wait3A_455 = arith.constant 10 : i32
    %dma_wait3A_456 = arith.constant 0 : i32
    %dma_wait3A_457 = tpu.memref_slice %arg6[%dma_wait3A_455, %dma_wait3A_456] : memref<128x300xf32, #tpu.memory_space<vmem>> -> memref<1x300xf32, #tpu.memory_space<vmem>>
    %dma_wait3A_458 = arith.constant 0 : i32
    %dma_wait3A_459 = tpu.memref_slice %arg2[%reduce_sum3A_240, %dma_wait3A_458] : memref<30522x300xf32, #tpu.memory_space<hbm>> -> memref<1x300xf32, #tpu.memory_space<hbm>>
    %dma_wait3A_460 = arith.constant 10 : i32
    %dma_wait3A_461 = arith.constant 0 : i32
    %dma_wait3A_462 = tpu.memref_slice %arg6[%dma_wait3A_460, %dma_wait3A_461] : memref<128x300xf32, #tpu.memory_space<vmem>> -> memref<1x300xf32, #tpu.memory_space<vmem>>
    %dma_wait3A_463 = arith.constant 0 : i32
    %dma_wait3A_464 = tpu.memref_slice %arg2[%reduce_sum3A_240, %dma_wait3A_463] : memref<30522x300xf32, #tpu.memory_space<hbm>> -> memref<1x300xf32, #tpu.memory_space<hbm>>
    tpu.wait_dma2 semaphore(%arg7 : memref<!tpu.dma_semaphore, #tpu.memory_space<semaphore_mem>>) src(%dma_wait3A_464 : memref<1x300xf32, #tpu.memory_space<hbm>>) dst(%dma_wait3A_462 : memref<1x300xf32, #tpu.memory_space<vmem>>)
    %dma_wait3A_465 = arith.constant 11 : i32
    %dma_wait3A_466 = arith.constant 0 : i32
    %dma_wait3A_467 = tpu.memref_slice %arg6[%dma_wait3A_465, %dma_wait3A_466] : memref<128x300xf32, #tpu.memory_space<vmem>> -> memref<1x300xf32, #tpu.memory_space<vmem>>
    %dma_wait3A_468 = arith.constant 0 : i32
    %dma_wait3A_469 = tpu.memref_slice %arg2[%reduce_sum3A_260, %dma_wait3A_468] : memref<30522x300xf32, #tpu.memory_space<hbm>> -> memref<1x300xf32, #tpu.memory_space<hbm>>
    %dma_wait3A_470 = arith.constant 11 : i32
    %dma_wait3A_471 = arith.constant 0 : i32
    %dma_wait3A_472 = tpu.memref_slice %arg6[%dma_wait3A_470, %dma_wait3A_471] : memref<128x300xf32, #tpu.memory_space<vmem>> -> memref<1x300xf32, #tpu.memory_space<vmem>>
    %dma_wait3A_473 = arith.constant 0 : i32
    %dma_wait3A_474 = tpu.memref_slice %arg2[%reduce_sum3A_260, %dma_wait3A_473] : memref<30522x300xf32, #tpu.memory_space<hbm>> -> memref<1x300xf32, #tpu.memory_space<hbm>>
    tpu.wait_dma2 semaphore(%arg7 : memref<!tpu.dma_semaphore, #tpu.memory_space<semaphore_mem>>) src(%dma_wait3A_474 : memref<1x300xf32, #tpu.memory_space<hbm>>) dst(%dma_wait3A_472 : memref<1x300xf32, #tpu.memory_space<vmem>>)
    %dma_wait3A_475 = arith.constant 12 : i32
    %dma_wait3A_476 = arith.constant 0 : i32
    %dma_wait3A_477 = tpu.memref_slice %arg6[%dma_wait3A_475, %dma_wait3A_476] : memref<128x300xf32, #tpu.memory_space<vmem>> -> memref<1x300xf32, #tpu.memory_space<vmem>>
    %dma_wait3A_478 = arith.constant 0 : i32
    %dma_wait3A_479 = tpu.memref_slice %arg2[%reduce_sum3A_280, %dma_wait3A_478] : memref<30522x300xf32, #tpu.memory_space<hbm>> -> memref<1x300xf32, #tpu.memory_space<hbm>>
    %dma_wait3A_480 = arith.constant 12 : i32
    %dma_wait3A_481 = arith.constant 0 : i32
    %dma_wait3A_482 = tpu.memref_slice %arg6[%dma_wait3A_480, %dma_wait3A_481] : memref<128x300xf32, #tpu.memory_space<vmem>> -> memref<1x300xf32, #tpu.memory_space<vmem>>
    %dma_wait3A_483 = arith.constant 0 : i32
    %dma_wait3A_484 = tpu.memref_slice %arg2[%reduce_sum3A_280, %dma_wait3A_483] : memref<30522x300xf32, #tpu.memory_space<hbm>> -> memref<1x300xf32, #tpu.memory_space<hbm>>
    tpu.wait_dma2 semaphore(%arg7 : memref<!tpu.dma_semaphore, #tpu.memory_space<semaphore_mem>>) src(%dma_wait3A_484 : memref<1x300xf32, #tpu.memory_space<hbm>>) dst(%dma_wait3A_482 : memref<1x300xf32, #tpu.memory_space<vmem>>)
    %dma_wait3A_485 = arith.constant 13 : i32
    %dma_wait3A_486 = arith.constant 0 : i32
    %dma_wait3A_487 = tpu.memref_slice %arg6[%dma_wait3A_485, %dma_wait3A_486] : memref<128x300xf32, #tpu.memory_space<vmem>> -> memref<1x300xf32, #tpu.memory_space<vmem>>
    %dma_wait3A_488 = arith.constant 0 : i32
    %dma_wait3A_489 = tpu.memref_slice %arg2[%reduce_sum3A_300, %dma_wait3A_488] : memref<30522x300xf32, #tpu.memory_space<hbm>> -> memref<1x300xf32, #tpu.memory_space<hbm>>
    %dma_wait3A_490 = arith.constant 13 : i32
    %dma_wait3A_491 = arith.constant 0 : i32
    %dma_wait3A_492 = tpu.memref_slice %arg6[%dma_wait3A_490, %dma_wait3A_491] : memref<128x300xf32, #tpu.memory_space<vmem>> -> memref<1x300xf32, #tpu.memory_space<vmem>>
    %dma_wait3A_493 = arith.constant 0 : i32
    %dma_wait3A_494 = tpu.memref_slice %arg2[%reduce_sum3A_300, %dma_wait3A_493] : memref<30522x300xf32, #tpu.memory_space<hbm>> -> memref<1x300xf32, #tpu.memory_space<hbm>>
    tpu.wait_dma2 semaphore(%arg7 : memref<!tpu.dma_semaphore, #tpu.memory_space<semaphore_mem>>) src(%dma_wait3A_494 : memref<1x300xf32, #tpu.memory_space<hbm>>) dst(%dma_wait3A_492 : memref<1x300xf32, #tpu.memory_space<vmem>>)
    %dma_wait3A_495 = arith.constant 14 : i32
    %dma_wait3A_496 = arith.constant 0 : i32
    %dma_wait3A_497 = tpu.memref_slice %arg6[%dma_wait3A_495, %dma_wait3A_496] : memref<128x300xf32, #tpu.memory_space<vmem>> -> memref<1x300xf32, #tpu.memory_space<vmem>>
    %dma_wait3A_498 = arith.constant 0 : i32
    %dma_wait3A_499 = tpu.memref_slice %arg2[%reduce_sum3A_320, %dma_wait3A_498] : memref<30522x300xf32, #tpu.memory_space<hbm>> -> memref<1x300xf32, #tpu.memory_space<hbm>>
    %dma_wait3A_500 = arith.constant 14 : i32
    %dma_wait3A_501 = arith.constant 0 : i32
    %dma_wait3A_502 = tpu.memref_slice %arg6[%dma_wait3A_500, %dma_wait3A_501] : memref<128x300xf32, #tpu.memory_space<vmem>> -> memref<1x300xf32, #tpu.memory_space<vmem>>
    %dma_wait3A_503 = arith.constant 0 : i32
    %dma_wait3A_504 = tpu.memref_slice %arg2[%reduce_sum3A_320, %dma_wait3A_503] : memref<30522x300xf32, #tpu.memory_space<hbm>> -> memref<1x300xf32, #tpu.memory_space<hbm>>
    tpu.wait_dma2 semaphore(%arg7 : memref<!tpu.dma_semaphore, #tpu.memory_space<semaphore_mem>>) src(%dma_wait3A_504 : memref<1x300xf32, #tpu.memory_space<hbm>>) dst(%dma_wait3A_502 : memref<1x300xf32, #tpu.memory_space<vmem>>)
    %dma_wait3A_505 = arith.constant 15 : i32
    %dma_wait3A_506 = arith.constant 0 : i32
    %dma_wait3A_507 = tpu.memref_slice %arg6[%dma_wait3A_505, %dma_wait3A_506] : memref<128x300xf32, #tpu.memory_space<vmem>> -> memref<1x300xf32, #tpu.memory_space<vmem>>
    %dma_wait3A_508 = arith.constant 0 : i32
    %dma_wait3A_509 = tpu.memref_slice %arg2[%reduce_sum3A_340, %dma_wait3A_508] : memref<30522x300xf32, #tpu.memory_space<hbm>> -> memref<1x300xf32, #tpu.memory_space<hbm>>
    %dma_wait3A_510 = arith.constant 15 : i32
    %dma_wait3A_511 = arith.constant 0 : i32
    %dma_wait3A_512 = tpu.memref_slice %arg6[%dma_wait3A_510, %dma_wait3A_511] : memref<128x300xf32, #tpu.memory_space<vmem>> -> memref<1x300xf32, #tpu.memory_space<vmem>>
    %dma_wait3A_513 = arith.constant 0 : i32
    %dma_wait3A_514 = tpu.memref_slice %arg2[%reduce_sum3A_340, %dma_wait3A_513] : memref<30522x300xf32, #tpu.memory_space<hbm>> -> memref<1x300xf32, #tpu.memory_space<hbm>>
    tpu.wait_dma2 semaphore(%arg7 : memref<!tpu.dma_semaphore, #tpu.memory_space<semaphore_mem>>) src(%dma_wait3A_514 : memref<1x300xf32, #tpu.memory_space<hbm>>) dst(%dma_wait3A_512 : memref<1x300xf32, #tpu.memory_space<vmem>>)
    "tpu.region"() ({
      %run_scoped3A = tpu.sem_alloc : memref<!tpu.dma_semaphore, #tpu.memory_space<semaphore_mem>>
      %dma_start3A_515 = arith.constant 0 : i32
      %dma_start3A_516 = tpu.memref_slice %arg4[%mul3A_2, %dma_start3A_515] : memref<4096x300xf32, #tpu.memory_space<hbm>> -> memref<128x300xf32, #tpu.memory_space<hbm>>
      %dma_start3A_517 = arith.constant 0 : i32
      %dma_start3A_518 = tpu.memref_slice %arg4[%mul3A_2, %dma_start3A_517] : memref<4096x300xf32, #tpu.memory_space<hbm>> -> memref<128x300xf32, #tpu.memory_space<hbm>>
      tpu.enqueue_dma source(%arg6 : memref<128x300xf32, #tpu.memory_space<vmem>>) target(%dma_start3A_518 : memref<128x300xf32, #tpu.memory_space<hbm>>) target_semaphore(%run_scoped3A : memref<!tpu.dma_semaphore, #tpu.memory_space<semaphore_mem>>)
      %dma_wait3A_519 = arith.constant 0 : i32
      %dma_wait3A_520 = tpu.memref_slice %arg4[%mul3A_2, %dma_wait3A_519] : memref<4096x300xf32, #tpu.memory_space<hbm>> -> memref<128x300xf32, #tpu.memory_space<hbm>>
      %dma_wait3A_521 = arith.constant 0 : i32
      %dma_wait3A_522 = tpu.memref_slice %arg4[%mul3A_2, %dma_wait3A_521] : memref<4096x300xf32, #tpu.memory_space<hbm>> -> memref<128x300xf32, #tpu.memory_space<hbm>>
      tpu.wait_dma2 semaphore(%run_scoped3A : memref<!tpu.dma_semaphore, #tpu.memory_space<semaphore_mem>>) src(%arg6 : memref<128x300xf32, #tpu.memory_space<vmem>>) dst(%dma_wait3A_522 : memref<128x300xf32, #tpu.memory_space<hbm>>)
      tpu.yield
    }) : () -> ()
    return
  }
}

module attributes {stable_mosaic.version = 14 : i64} {
  func.func @_dense_body(%arg0: i32, %arg1: memref<4096x300xf32, #tpu.memory_space<vmem>>, %arg2: memref<8x512xi32, #tpu.memory_space<vmem>>, %arg3: memref<300xf32, #tpu.memory_space<vmem>>, %arg4: memref<300xf32, #tpu.memory_space<vmem>>, %arg5: memref<768x300xf32, #tpu.memory_space<vmem>>, %arg6: memref<768xf32, #tpu.memory_space<vmem>>, %arg7: memref<768xf32, #tpu.memory_space<vmem>>, %arg8: memref<768xf32, #tpu.memory_space<vmem>>, %arg9: memref<32x768xf32, #tpu.memory_space<vmem>>, %arg10: memref<8x32x768xf32, #tpu.memory_space<vmem>>) attributes {dimension_semantics = [#tpu.dimension_semantics<arbitrary>], iteration_bounds = array<i64: 1>, scalar_prefetch = 0 : i64, scratch_operands = 0 : i64, tpu.core_type = #tpu.core_type<tc>, window_params = [{pipeline_mode = #tpu.pipeline_mode<synchronous>, transform_indices = @transform_0, window_bounds = array<i64: 4096, 300>}, {pipeline_mode = #tpu.pipeline_mode<synchronous>, transform_indices = @transform_1, window_bounds = array<i64: 8, 512>}, {pipeline_mode = #tpu.pipeline_mode<synchronous>, transform_indices = @transform_2, window_bounds = array<i64: 300>}, {pipeline_mode = #tpu.pipeline_mode<synchronous>, transform_indices = @transform_3, window_bounds = array<i64: 300>}, {pipeline_mode = #tpu.pipeline_mode<synchronous>, transform_indices = @transform_4, window_bounds = array<i64: 768, 300>}, {pipeline_mode = #tpu.pipeline_mode<synchronous>, transform_indices = @transform_5, window_bounds = array<i64: 768>}, {pipeline_mode = #tpu.pipeline_mode<synchronous>, transform_indices = @transform_6, window_bounds = array<i64: 768>}, {pipeline_mode = #tpu.pipeline_mode<synchronous>, transform_indices = @transform_7, window_bounds = array<i64: 768>}, {transform_indices = @transform_8, window_bounds = array<i64: 32, 768>}, {pipeline_mode = #tpu.pipeline_mode<synchronous>, transform_indices = @transform_9, window_bounds = array<i64: 8, 32, 768>}]} {
    %get3A = arith.constant 0 : index
    %get3A_0 = arith.constant 0 : index
    %get3A_1 = vector.load %arg1[%get3A, %get3A_0] : memref<4096x300xf32, #tpu.memory_space<vmem>>, vector<4096x300xf32>
    %reduce_sum3A = arith.constant dense<0.000000e+00> : vector<4096xf32>
    %reduce_sum3A_2 = vector.multi_reduction <add>, %get3A_1, %reduce_sum3A [1] : vector<4096x300xf32> to vector<4096xf32>
    %broadcast_in_dim3A = vector.shape_cast %reduce_sum3A_2 : vector<4096xf32> to vector<4096x1xf32>
    %div3A = arith.constant 3.000000e+02 : f32
    %div3A_3 = vector.broadcast %div3A : f32 to vector<4096x1xf32>
    %div3A_4 = arith.divf %broadcast_in_dim3A, %div3A_3 : vector<4096x1xf32>
    %sub3A = vector.broadcast %div3A_4 : vector<4096x1xf32> to vector<4096x300xf32>
    %sub3A_5 = arith.subf %get3A_1, %sub3A : vector<4096x300xf32>
    %mul3A = arith.mulf %sub3A_5, %sub3A_5 : vector<4096x300xf32>
    %reduce_sum3A_6 = arith.constant dense<0.000000e+00> : vector<4096xf32>
    %reduce_sum3A_7 = vector.multi_reduction <add>, %mul3A, %reduce_sum3A_6 [1] : vector<4096x300xf32> to vector<4096xf32>
    %broadcast_in_dim3A_8 = vector.shape_cast %reduce_sum3A_7 : vector<4096xf32> to vector<4096x1xf32>
    %div3A_9 = arith.constant 3.000000e+02 : f32
    %div3A_10 = vector.broadcast %div3A_9 : f32 to vector<4096x1xf32>
    %div3A_11 = arith.divf %broadcast_in_dim3A_8, %div3A_10 : vector<4096x1xf32>
    %add3A = arith.constant 9.99999996E-13 : f32
    %add3A_12 = vector.broadcast %add3A : f32 to vector<4096x1xf32>
    %add3A_13 = arith.addf %div3A_11, %add3A_12 : vector<4096x1xf32>
    %rsqrt3A = math.rsqrt %add3A_13 : vector<4096x1xf32>
    %mul3A_14 = vector.broadcast %rsqrt3A : vector<4096x1xf32> to vector<4096x300xf32>
    %mul3A_15 = arith.mulf %sub3A_5, %mul3A_14 : vector<4096x300xf32>
    %get3A_16 = arith.constant 0 : index
    %get3A_17 = vector.load %arg3[%get3A_16] : memref<300xf32, #tpu.memory_space<vmem>>, vector<300xf32>
    %broadcast_in_dim3A_18 = vector.shape_cast %get3A_17 : vector<300xf32> to vector<1x300xf32>
    %mul3A_19 = vector.broadcast %broadcast_in_dim3A_18 : vector<1x300xf32> to vector<4096x300xf32>
    %mul3A_20 = arith.mulf %mul3A_15, %mul3A_19 : vector<4096x300xf32>
    %get3A_21 = arith.constant 0 : index
    %get3A_22 = vector.load %arg4[%get3A_21] : memref<300xf32, #tpu.memory_space<vmem>>, vector<300xf32>
    %broadcast_in_dim3A_23 = vector.shape_cast %get3A_22 : vector<300xf32> to vector<1x300xf32>
    %add3A_24 = vector.broadcast %broadcast_in_dim3A_23 : vector<1x300xf32> to vector<4096x300xf32>
    %add3A_25 = arith.addf %mul3A_20, %add3A_24 : vector<4096x300xf32>
    %get3A_26 = arith.constant 0 : index
    %get3A_27 = arith.constant 0 : index
    %get3A_28 = vector.load %arg5[%get3A_26, %get3A_27] : memref<768x300xf32, #tpu.memory_space<vmem>>, vector<768x300xf32>
    %dot_general3A = arith.constant dense<0.000000e+00> : vector<4096x768xf32>
    %dot_general3A_29 = tpu.matmul %add3A_25, %get3A_28, %dot_general3A {dimension_numbers = #tpu.dot_dimension_numbers<[1], [1], [0], [0], [0, 0, 1, 0], [], []>, transpose_lhs_hint = false} : vector<4096x300xf32>, vector<768x300xf32>, vector<4096x768xf32> -> vector<4096x768xf32>
    %get3A_30 = arith.constant 0 : index
    %get3A_31 = vector.load %arg6[%get3A_30] : memref<768xf32, #tpu.memory_space<vmem>>, vector<768xf32>
    %broadcast_in_dim3A_32 = vector.shape_cast %get3A_31 : vector<768xf32> to vector<1x768xf32>
    %add3A_33 = vector.broadcast %broadcast_in_dim3A_32 : vector<1x768xf32> to vector<4096x768xf32>
    %add3A_34 = arith.addf %dot_general3A_29, %add3A_33 : vector<4096x768xf32>
    %max3A = arith.constant 0.000000e+00 : f32
    %max3A_35 = vector.broadcast %max3A : f32 to vector<4096x768xf32>
    %max3A_36 = arith.maximumf %add3A_34, %max3A_35 : vector<4096x768xf32>
    %reduce_sum3A_37 = arith.constant dense<0.000000e+00> : vector<4096xf32>
    %reduce_sum3A_38 = vector.multi_reduction <add>, %max3A_36, %reduce_sum3A_37 [1] : vector<4096x768xf32> to vector<4096xf32>
    %broadcast_in_dim3A_39 = vector.shape_cast %reduce_sum3A_38 : vector<4096xf32> to vector<4096x1xf32>
    %div3A_40 = arith.constant 7.680000e+02 : f32
    %div3A_41 = vector.broadcast %div3A_40 : f32 to vector<4096x1xf32>
    %div3A_42 = arith.divf %broadcast_in_dim3A_39, %div3A_41 : vector<4096x1xf32>
    %sub3A_43 = vector.broadcast %div3A_42 : vector<4096x1xf32> to vector<4096x768xf32>
    %sub3A_44 = arith.subf %max3A_36, %sub3A_43 : vector<4096x768xf32>
    %mul3A_45 = arith.mulf %sub3A_44, %sub3A_44 : vector<4096x768xf32>
    %reduce_sum3A_46 = arith.constant dense<0.000000e+00> : vector<4096xf32>
    %reduce_sum3A_47 = vector.multi_reduction <add>, %mul3A_45, %reduce_sum3A_46 [1] : vector<4096x768xf32> to vector<4096xf32>
    %broadcast_in_dim3A_48 = vector.shape_cast %reduce_sum3A_47 : vector<4096xf32> to vector<4096x1xf32>
    %div3A_49 = arith.constant 7.680000e+02 : f32
    %div3A_50 = vector.broadcast %div3A_49 : f32 to vector<4096x1xf32>
    %div3A_51 = arith.divf %broadcast_in_dim3A_48, %div3A_50 : vector<4096x1xf32>
    %add3A_52 = arith.constant 9.99999996E-13 : f32
    %add3A_53 = vector.broadcast %add3A_52 : f32 to vector<4096x1xf32>
    %add3A_54 = arith.addf %div3A_51, %add3A_53 : vector<4096x1xf32>
    %rsqrt3A_55 = math.rsqrt %add3A_54 : vector<4096x1xf32>
    %mul3A_56 = vector.broadcast %rsqrt3A_55 : vector<4096x1xf32> to vector<4096x768xf32>
    %mul3A_57 = arith.mulf %sub3A_44, %mul3A_56 : vector<4096x768xf32>
    %get3A_58 = arith.constant 0 : index
    %get3A_59 = vector.load %arg7[%get3A_58] : memref<768xf32, #tpu.memory_space<vmem>>, vector<768xf32>
    %broadcast_in_dim3A_60 = vector.shape_cast %get3A_59 : vector<768xf32> to vector<1x768xf32>
    %mul3A_61 = vector.broadcast %broadcast_in_dim3A_60 : vector<1x768xf32> to vector<4096x768xf32>
    %mul3A_62 = arith.mulf %mul3A_57, %mul3A_61 : vector<4096x768xf32>
    %get3A_63 = arith.constant 0 : index
    %get3A_64 = vector.load %arg8[%get3A_63] : memref<768xf32, #tpu.memory_space<vmem>>, vector<768xf32>
    %broadcast_in_dim3A_65 = vector.shape_cast %get3A_64 : vector<768xf32> to vector<1x768xf32>
    %add3A_66 = vector.broadcast %broadcast_in_dim3A_65 : vector<1x768xf32> to vector<4096x768xf32>
    %add3A_67 = arith.addf %mul3A_62, %add3A_66 : vector<4096x768xf32>
    %iota3A = tpu.iota {dimensions = array<i32: 0>} : vector<32x512xi32>
    %iota3A_68 = tpu.iota {dimensions = array<i32: 1>} : vector<32x512xi32>
    %jit3A = arith.constant 16 : i32
    %div3A_69 = vector.broadcast %jit3A : i32 to vector<32x512xi32>
    %div3A_70 = arith.divsi %iota3A_68, %div3A_69 : vector<32x512xi32>
    %sign3A = arith.constant 0 : i32
    %sign3A_71 = vector.broadcast %sign3A : i32 to vector<32x512xi32>
    %sign3A_72 = arith.cmpi sgt, %iota3A_68, %sign3A_71 : vector<32x512xi32>
    %sign3A_73 = arith.extui %sign3A_72 : vector<32x512xi1> to vector<32x512xi32>
    %sign3A_74 = arith.constant 0 : i32
    %sign3A_75 = vector.broadcast %sign3A_74 : i32 to vector<32x512xi32>
    %sign3A_76 = arith.cmpi slt, %iota3A_68, %sign3A_75 : vector<32x512xi32>
    %sign3A_77 = arith.extui %sign3A_76 : vector<32x512xi1> to vector<32x512xi32>
    %sign3A_78 = arith.subi %sign3A_73, %sign3A_77 : vector<32x512xi32>
    %sign3A_79 = arith.constant 0 : i32
    %sign3A_80 = arith.cmpi sgt, %jit3A, %sign3A_79 : i32
    %sign3A_81 = arith.extui %sign3A_80 : i1 to i32
    %sign3A_82 = arith.constant 0 : i32
    %sign3A_83 = arith.cmpi slt, %jit3A, %sign3A_82 : i32
    %sign3A_84 = arith.extui %sign3A_83 : i1 to i32
    %sign3A_85 = arith.subi %sign3A_81, %sign3A_84 : i32
    %ne3A = vector.broadcast %sign3A_85 : i32 to vector<32x512xi32>
    %ne3A_86 = arith.cmpi ne, %sign3A_78, %ne3A : vector<32x512xi32>
    %rem3A = vector.broadcast %jit3A : i32 to vector<32x512xi32>
    %rem3A_87 = arith.remsi %iota3A_68, %rem3A : vector<32x512xi32>
    %ne3A_88 = arith.constant 0 : i32
    %ne3A_89 = vector.broadcast %ne3A_88 : i32 to vector<32x512xi32>
    %ne3A_90 = arith.cmpi ne, %rem3A_87, %ne3A_89 : vector<32x512xi32>
    %and3A = arith.andi %ne3A_86, %ne3A_90 : vector<32x512xi1>
    %sub3A_91 = arith.constant 1 : i32
    %sub3A_92 = vector.broadcast %sub3A_91 : i32 to vector<32x512xi32>
    %sub3A_93 = arith.subi %div3A_70, %sub3A_92 : vector<32x512xi32>
    %select_n3A = arith.select %and3A, %sub3A_93, %div3A_70 : vector<32x512xi1>, vector<32x512xi32>
    %eq3A = arith.cmpi eq, %select_n3A, %iota3A : vector<32x512xi32>
    %jit3A_94 = arith.constant 16 : i32
    %eq3A_95 = arith.constant 0 : i32
    %eq3A_96 = arith.cmpi eq, %jit3A_94, %eq3A_95 : i32
    %jit3A_97 = arith.constant 1 : i32
    %select_n3A_98 = arith.select %eq3A_96, %jit3A_97, %jit3A_94 : i32
    %rem3A_99 = vector.broadcast %select_n3A_98 : i32 to vector<32x512xi32>
    %rem3A_100 = arith.remsi %iota3A_68, %rem3A_99 : vector<32x512xi32>
    %ne3A_101 = arith.constant 0 : i32
    %ne3A_102 = vector.broadcast %ne3A_101 : i32 to vector<32x512xi32>
    %ne3A_103 = arith.cmpi ne, %rem3A_100, %ne3A_102 : vector<32x512xi32>
    %lt3A = arith.constant 0 : i32
    %lt3A_104 = vector.broadcast %lt3A : i32 to vector<32x512xi32>
    %lt3A_105 = arith.cmpi slt, %rem3A_100, %lt3A_104 : vector<32x512xi32>
    %lt3A_106 = arith.constant 0 : i32
    %lt3A_107 = arith.cmpi slt, %select_n3A_98, %lt3A_106 : i32
    %ne3A_108 = vector.broadcast %lt3A_107 : i1 to vector<32x512xi1>
    %ne3A_109 = vector.broadcast %ne3A_108 : vector<32x512xi1> to vector<32x512xi1>
    %ne3A_110 = arith.xori %lt3A_105, %ne3A_109 : vector<32x512xi1>
    %and3A_111 = arith.andi %ne3A_110, %ne3A_103 : vector<32x512xi1>
    %add3A_112 = vector.broadcast %select_n3A_98 : i32 to vector<32x512xi32>
    %add3A_113 = arith.addi %rem3A_100, %add3A_112 : vector<32x512xi32>
    %select_n3A_114 = arith.select %and3A_111, %add3A_113, %rem3A_100 : vector<32x512xi1>, vector<32x512xi32>
    %ne3A_115 = arith.constant 15 : i32
    %ne3A_116 = vector.broadcast %ne3A_115 : i32 to vector<32x512xi32>
    %ne3A_117 = arith.cmpi ne, %select_n3A_114, %ne3A_116 : vector<32x512xi32>
    %and3A_118 = arith.andi %eq3A, %ne3A_117 : vector<32x512xi1>
    %get3A_119 = arith.constant 0 : index
    %get3A_120 = arith.constant 0 : index
    %get3A_121 = vector.load %arg2[%get3A_119, %get3A_120] : memref<8x512xi32, #tpu.memory_space<vmem>>, vector<1x512xi32>
    %ne3A_122 = arith.constant 1 : i32
    %ne3A_123 = vector.broadcast %ne3A_122 : i32 to vector<1x512xi32>
    %ne3A_124 = arith.cmpi ne, %get3A_121, %ne3A_123 : vector<1x512xi32>
    %and3A_125 = vector.broadcast %ne3A_124 : vector<1x512xi1> to vector<32x512xi1>
    %and3A_126 = arith.andi %and3A_118, %and3A_125 : vector<32x512xi1>
    %jit3A_127 = arith.constant 0.0666666701 : f32
    %jit3A_128 = arith.constant 0.000000e+00 : f32
    %broadcast_in_dim3A_129 = vector.broadcast %jit3A_127 : f32 to vector<32x512xf32>
    %broadcast_in_dim3A_130 = vector.broadcast %jit3A_128 : f32 to vector<32x512xf32>
    %select_n3A_131 = arith.select %and3A_126, %broadcast_in_dim3A_129, %broadcast_in_dim3A_130 : vector<32x512xi1>, vector<32x512xf32>
    %slice3A = vector.extract_strided_slice %add3A_67 {offsets = [0, 0], sizes = [512, 768], strides = [1, 1]} : vector<4096x768xf32> to vector<512x768xf32>
    %dot_general3A_132 = arith.constant dense<0.000000e+00> : vector<32x768xf32>
    %dot_general3A_133 = tpu.matmul %select_n3A_131, %slice3A, %dot_general3A_132 {dimension_numbers = #tpu.dot_dimension_numbers<[1], [0], [0], [1], [0, 0, 1, 1], [], []>, transpose_lhs_hint = false} : vector<32x512xf32>, vector<512x768xf32>, vector<32x768xf32> -> vector<32x768xf32>
    %get3A_134 = arith.constant 0 : index
    %get3A_135 = arith.constant 0 : index
    %get3A_136 = vector.load %arg9[%get3A_134, %get3A_135] : memref<32x768xf32, #tpu.memory_space<vmem>>, vector<32x768xf32>
    %add3A_137 = arith.addf %dot_general3A_133, %get3A_136 : vector<32x768xf32>
    %swap3A = arith.constant 0 : index
    %swap3A_138 = arith.constant 0 : index
    %swap3A_139 = arith.constant 0 : index
    %swap3A_140 = vector.load %arg10[%swap3A, %swap3A_138, %swap3A_139] : memref<8x32x768xf32, #tpu.memory_space<vmem>>, vector<1x32x768xf32>
    %swap3A_141 = vector.shape_cast %swap3A_140 : vector<1x32x768xf32> to vector<32x768xf32>
    %swap3A_142 = vector.shape_cast %add3A_137 : vector<32x768xf32> to vector<1x32x768xf32>
    tpu.vector_store %arg10[%swap3A, %swap3A_138, %swap3A_139], %swap3A_142 {strides = array<i32>} : memref<8x32x768xf32, #tpu.memory_space<vmem>>, vector<1x32x768xf32>,
    %get3A_143 = arith.constant 1 : index
    %get3A_144 = arith.constant 0 : index
    %get3A_145 = vector.load %arg2[%get3A_143, %get3A_144] : memref<8x512xi32, #tpu.memory_space<vmem>>, vector<1x512xi32>
    %ne3A_146 = arith.constant 1 : i32
    %ne3A_147 = vector.broadcast %ne3A_146 : i32 to vector<1x512xi32>
    %ne3A_148 = arith.cmpi ne, %get3A_145, %ne3A_147 : vector<1x512xi32>
    %and3A_149 = vector.broadcast %ne3A_148 : vector<1x512xi1> to vector<32x512xi1>
    %and3A_150 = arith.andi %and3A_118, %and3A_149 : vector<32x512xi1>
    %jit3A_151 = arith.constant 0.0666666701 : f32
    %jit3A_152 = arith.constant 0.000000e+00 : f32
    %broadcast_in_dim3A_153 = vector.broadcast %jit3A_151 : f32 to vector<32x512xf32>
    %broadcast_in_dim3A_154 = vector.broadcast %jit3A_152 : f32 to vector<32x512xf32>
    %select_n3A_155 = arith.select %and3A_150, %broadcast_in_dim3A_153, %broadcast_in_dim3A_154 : vector<32x512xi1>, vector<32x512xf32>
    %slice3A_156 = vector.extract_strided_slice %add3A_67 {offsets = [512, 0], sizes = [512, 768], strides = [1, 1]} : vector<4096x768xf32> to vector<512x768xf32>
    %dot_general3A_157 = arith.constant dense<0.000000e+00> : vector<32x768xf32>
    %dot_general3A_158 = tpu.matmul %select_n3A_155, %slice3A_156, %dot_general3A_157 {dimension_numbers = #tpu.dot_dimension_numbers<[1], [0], [0], [1], [0, 0, 1, 1], [], []>, transpose_lhs_hint = false} : vector<32x512xf32>, vector<512x768xf32>, vector<32x768xf32> -> vector<32x768xf32>
    %get3A_159 = arith.constant 0 : index
    %get3A_160 = arith.constant 0 : index
    %get3A_161 = vector.load %arg9[%get3A_159, %get3A_160] : memref<32x768xf32, #tpu.memory_space<vmem>>, vector<32x768xf32>
    %add3A_162 = arith.addf %dot_general3A_158, %get3A_161 : vector<32x768xf32>
    %swap3A_163 = arith.constant 1 : index
    %swap3A_164 = arith.constant 0 : index
    %swap3A_165 = arith.constant 0 : index
    %swap3A_166 = vector.load %arg10[%swap3A_163, %swap3A_164, %swap3A_165] : memref<8x32x768xf32, #tpu.memory_space<vmem>>, vector<1x32x768xf32>
    %swap3A_167 = vector.shape_cast %swap3A_166 : vector<1x32x768xf32> to vector<32x768xf32>
    %swap3A_168 = vector.shape_cast %add3A_162 : vector<32x768xf32> to vector<1x32x768xf32>
    tpu.vector_store %arg10[%swap3A_163, %swap3A_164, %swap3A_165], %swap3A_168 {strides = array<i32>} : memref<8x32x768xf32, #tpu.memory_space<vmem>>, vector<1x32x768xf32>,
    %get3A_169 = arith.constant 2 : index
    %get3A_170 = arith.constant 0 : index
    %get3A_171 = vector.load %arg2[%get3A_169, %get3A_170] : memref<8x512xi32, #tpu.memory_space<vmem>>, vector<1x512xi32>
    %ne3A_172 = arith.constant 1 : i32
    %ne3A_173 = vector.broadcast %ne3A_172 : i32 to vector<1x512xi32>
    %ne3A_174 = arith.cmpi ne, %get3A_171, %ne3A_173 : vector<1x512xi32>
    %and3A_175 = vector.broadcast %ne3A_174 : vector<1x512xi1> to vector<32x512xi1>
    %and3A_176 = arith.andi %and3A_118, %and3A_175 : vector<32x512xi1>
    %jit3A_177 = arith.constant 0.0666666701 : f32
    %jit3A_178 = arith.constant 0.000000e+00 : f32
    %broadcast_in_dim3A_179 = vector.broadcast %jit3A_177 : f32 to vector<32x512xf32>
    %broadcast_in_dim3A_180 = vector.broadcast %jit3A_178 : f32 to vector<32x512xf32>
    %select_n3A_181 = arith.select %and3A_176, %broadcast_in_dim3A_179, %broadcast_in_dim3A_180 : vector<32x512xi1>, vector<32x512xf32>
    %slice3A_182 = vector.extract_strided_slice %add3A_67 {offsets = [1024, 0], sizes = [512, 768], strides = [1, 1]} : vector<4096x768xf32> to vector<512x768xf32>
    %dot_general3A_183 = arith.constant dense<0.000000e+00> : vector<32x768xf32>
    %dot_general3A_184 = tpu.matmul %select_n3A_181, %slice3A_182, %dot_general3A_183 {dimension_numbers = #tpu.dot_dimension_numbers<[1], [0], [0], [1], [0, 0, 1, 1], [], []>, transpose_lhs_hint = false} : vector<32x512xf32>, vector<512x768xf32>, vector<32x768xf32> -> vector<32x768xf32>
    %get3A_185 = arith.constant 0 : index
    %get3A_186 = arith.constant 0 : index
    %get3A_187 = vector.load %arg9[%get3A_185, %get3A_186] : memref<32x768xf32, #tpu.memory_space<vmem>>, vector<32x768xf32>
    %add3A_188 = arith.addf %dot_general3A_184, %get3A_187 : vector<32x768xf32>
    %swap3A_189 = arith.constant 2 : index
    %swap3A_190 = arith.constant 0 : index
    %swap3A_191 = arith.constant 0 : index
    %swap3A_192 = vector.load %arg10[%swap3A_189, %swap3A_190, %swap3A_191] : memref<8x32x768xf32, #tpu.memory_space<vmem>>, vector<1x32x768xf32>
    %swap3A_193 = vector.shape_cast %swap3A_192 : vector<1x32x768xf32> to vector<32x768xf32>
    %swap3A_194 = vector.shape_cast %add3A_188 : vector<32x768xf32> to vector<1x32x768xf32>
    tpu.vector_store %arg10[%swap3A_189, %swap3A_190, %swap3A_191], %swap3A_194 {strides = array<i32>} : memref<8x32x768xf32, #tpu.memory_space<vmem>>, vector<1x32x768xf32>,
    %get3A_195 = arith.constant 3 : index
    %get3A_196 = arith.constant 0 : index
    %get3A_197 = vector.load %arg2[%get3A_195, %get3A_196] : memref<8x512xi32, #tpu.memory_space<vmem>>, vector<1x512xi32>
    %ne3A_198 = arith.constant 1 : i32
    %ne3A_199 = vector.broadcast %ne3A_198 : i32 to vector<1x512xi32>
    %ne3A_200 = arith.cmpi ne, %get3A_197, %ne3A_199 : vector<1x512xi32>
    %and3A_201 = vector.broadcast %ne3A_200 : vector<1x512xi1> to vector<32x512xi1>
    %and3A_202 = arith.andi %and3A_118, %and3A_201 : vector<32x512xi1>
    %jit3A_203 = arith.constant 0.0666666701 : f32
    %jit3A_204 = arith.constant 0.000000e+00 : f32
    %broadcast_in_dim3A_205 = vector.broadcast %jit3A_203 : f32 to vector<32x512xf32>
    %broadcast_in_dim3A_206 = vector.broadcast %jit3A_204 : f32 to vector<32x512xf32>
    %select_n3A_207 = arith.select %and3A_202, %broadcast_in_dim3A_205, %broadcast_in_dim3A_206 : vector<32x512xi1>, vector<32x512xf32>
    %slice3A_208 = vector.extract_strided_slice %add3A_67 {offsets = [1536, 0], sizes = [512, 768], strides = [1, 1]} : vector<4096x768xf32> to vector<512x768xf32>
    %dot_general3A_209 = arith.constant dense<0.000000e+00> : vector<32x768xf32>
    %dot_general3A_210 = tpu.matmul %select_n3A_207, %slice3A_208, %dot_general3A_209 {dimension_numbers = #tpu.dot_dimension_numbers<[1], [0], [0], [1], [0, 0, 1, 1], [], []>, transpose_lhs_hint = false} : vector<32x512xf32>, vector<512x768xf32>, vector<32x768xf32> -> vector<32x768xf32>
    %get3A_211 = arith.constant 0 : index
    %get3A_212 = arith.constant 0 : index
    %get3A_213 = vector.load %arg9[%get3A_211, %get3A_212] : memref<32x768xf32, #tpu.memory_space<vmem>>, vector<32x768xf32>
    %add3A_214 = arith.addf %dot_general3A_210, %get3A_213 : vector<32x768xf32>
    %swap3A_215 = arith.constant 3 : index
    %swap3A_216 = arith.constant 0 : index
    %swap3A_217 = arith.constant 0 : index
    %swap3A_218 = vector.load %arg10[%swap3A_215, %swap3A_216, %swap3A_217] : memref<8x32x768xf32, #tpu.memory_space<vmem>>, vector<1x32x768xf32>
    %swap3A_219 = vector.shape_cast %swap3A_218 : vector<1x32x768xf32> to vector<32x768xf32>
    %swap3A_220 = vector.shape_cast %add3A_214 : vector<32x768xf32> to vector<1x32x768xf32>
    tpu.vector_store %arg10[%swap3A_215, %swap3A_216, %swap3A_217], %swap3A_220 {strides = array<i32>} : memref<8x32x768xf32, #tpu.memory_space<vmem>>, vector<1x32x768xf32>,
    %get3A_221 = arith.constant 4 : index
    %get3A_222 = arith.constant 0 : index
    %get3A_223 = vector.load %arg2[%get3A_221, %get3A_222] : memref<8x512xi32, #tpu.memory_space<vmem>>, vector<1x512xi32>
    %ne3A_224 = arith.constant 1 : i32
    %ne3A_225 = vector.broadcast %ne3A_224 : i32 to vector<1x512xi32>
    %ne3A_226 = arith.cmpi ne, %get3A_223, %ne3A_225 : vector<1x512xi32>
    %and3A_227 = vector.broadcast %ne3A_226 : vector<1x512xi1> to vector<32x512xi1>
    %and3A_228 = arith.andi %and3A_118, %and3A_227 : vector<32x512xi1>
    %jit3A_229 = arith.constant 0.0666666701 : f32
    %jit3A_230 = arith.constant 0.000000e+00 : f32
    %broadcast_in_dim3A_231 = vector.broadcast %jit3A_229 : f32 to vector<32x512xf32>
    %broadcast_in_dim3A_232 = vector.broadcast %jit3A_230 : f32 to vector<32x512xf32>
    %select_n3A_233 = arith.select %and3A_228, %broadcast_in_dim3A_231, %broadcast_in_dim3A_232 : vector<32x512xi1>, vector<32x512xf32>
    %slice3A_234 = vector.extract_strided_slice %add3A_67 {offsets = [2048, 0], sizes = [512, 768], strides = [1, 1]} : vector<4096x768xf32> to vector<512x768xf32>
    %dot_general3A_235 = arith.constant dense<0.000000e+00> : vector<32x768xf32>
    %dot_general3A_236 = tpu.matmul %select_n3A_233, %slice3A_234, %dot_general3A_235 {dimension_numbers = #tpu.dot_dimension_numbers<[1], [0], [0], [1], [0, 0, 1, 1], [], []>, transpose_lhs_hint = false} : vector<32x512xf32>, vector<512x768xf32>, vector<32x768xf32> -> vector<32x768xf32>
    %get3A_237 = arith.constant 0 : index
    %get3A_238 = arith.constant 0 : index
    %get3A_239 = vector.load %arg9[%get3A_237, %get3A_238] : memref<32x768xf32, #tpu.memory_space<vmem>>, vector<32x768xf32>
    %add3A_240 = arith.addf %dot_general3A_236, %get3A_239 : vector<32x768xf32>
    %swap3A_241 = arith.constant 4 : index
    %swap3A_242 = arith.constant 0 : index
    %swap3A_243 = arith.constant 0 : index
    %swap3A_244 = vector.load %arg10[%swap3A_241, %swap3A_242, %swap3A_243] : memref<8x32x768xf32, #tpu.memory_space<vmem>>, vector<1x32x768xf32>
    %swap3A_245 = vector.shape_cast %swap3A_244 : vector<1x32x768xf32> to vector<32x768xf32>
    %swap3A_246 = vector.shape_cast %add3A_240 : vector<32x768xf32> to vector<1x32x768xf32>
    tpu.vector_store %arg10[%swap3A_241, %swap3A_242, %swap3A_243], %swap3A_246 {strides = array<i32>} : memref<8x32x768xf32, #tpu.memory_space<vmem>>, vector<1x32x768xf32>,
    %get3A_247 = arith.constant 5 : index
    %get3A_248 = arith.constant 0 : index
    %get3A_249 = vector.load %arg2[%get3A_247, %get3A_248] : memref<8x512xi32, #tpu.memory_space<vmem>>, vector<1x512xi32>
    %ne3A_250 = arith.constant 1 : i32
    %ne3A_251 = vector.broadcast %ne3A_250 : i32 to vector<1x512xi32>
    %ne3A_252 = arith.cmpi ne, %get3A_249, %ne3A_251 : vector<1x512xi32>
    %and3A_253 = vector.broadcast %ne3A_252 : vector<1x512xi1> to vector<32x512xi1>
    %and3A_254 = arith.andi %and3A_118, %and3A_253 : vector<32x512xi1>
    %jit3A_255 = arith.constant 0.0666666701 : f32
    %jit3A_256 = arith.constant 0.000000e+00 : f32
    %broadcast_in_dim3A_257 = vector.broadcast %jit3A_255 : f32 to vector<32x512xf32>
    %broadcast_in_dim3A_258 = vector.broadcast %jit3A_256 : f32 to vector<32x512xf32>
    %select_n3A_259 = arith.select %and3A_254, %broadcast_in_dim3A_257, %broadcast_in_dim3A_258 : vector<32x512xi1>, vector<32x512xf32>
    %slice3A_260 = vector.extract_strided_slice %add3A_67 {offsets = [2560, 0], sizes = [512, 768], strides = [1, 1]} : vector<4096x768xf32> to vector<512x768xf32>
    %dot_general3A_261 = arith.constant dense<0.000000e+00> : vector<32x768xf32>
    %dot_general3A_262 = tpu.matmul %select_n3A_259, %slice3A_260, %dot_general3A_261 {dimension_numbers = #tpu.dot_dimension_numbers<[1], [0], [0], [1], [0, 0, 1, 1], [], []>, transpose_lhs_hint = false} : vector<32x512xf32>, vector<512x768xf32>, vector<32x768xf32> -> vector<32x768xf32>
    %get3A_263 = arith.constant 0 : index
    %get3A_264 = arith.constant 0 : index
    %get3A_265 = vector.load %arg9[%get3A_263, %get3A_264] : memref<32x768xf32, #tpu.memory_space<vmem>>, vector<32x768xf32>
    %add3A_266 = arith.addf %dot_general3A_262, %get3A_265 : vector<32x768xf32>
    %swap3A_267 = arith.constant 5 : index
    %swap3A_268 = arith.constant 0 : index
    %swap3A_269 = arith.constant 0 : index
    %swap3A_270 = vector.load %arg10[%swap3A_267, %swap3A_268, %swap3A_269] : memref<8x32x768xf32, #tpu.memory_space<vmem>>, vector<1x32x768xf32>
    %swap3A_271 = vector.shape_cast %swap3A_270 : vector<1x32x768xf32> to vector<32x768xf32>
    %swap3A_272 = vector.shape_cast %add3A_266 : vector<32x768xf32> to vector<1x32x768xf32>
    tpu.vector_store %arg10[%swap3A_267, %swap3A_268, %swap3A_269], %swap3A_272 {strides = array<i32>} : memref<8x32x768xf32, #tpu.memory_space<vmem>>, vector<1x32x768xf32>,
    %get3A_273 = arith.constant 6 : index
    %get3A_274 = arith.constant 0 : index
    %get3A_275 = vector.load %arg2[%get3A_273, %get3A_274] : memref<8x512xi32, #tpu.memory_space<vmem>>, vector<1x512xi32>
    %ne3A_276 = arith.constant 1 : i32
    %ne3A_277 = vector.broadcast %ne3A_276 : i32 to vector<1x512xi32>
    %ne3A_278 = arith.cmpi ne, %get3A_275, %ne3A_277 : vector<1x512xi32>
    %and3A_279 = vector.broadcast %ne3A_278 : vector<1x512xi1> to vector<32x512xi1>
    %and3A_280 = arith.andi %and3A_118, %and3A_279 : vector<32x512xi1>
    %jit3A_281 = arith.constant 0.0666666701 : f32
    %jit3A_282 = arith.constant 0.000000e+00 : f32
    %broadcast_in_dim3A_283 = vector.broadcast %jit3A_281 : f32 to vector<32x512xf32>
    %broadcast_in_dim3A_284 = vector.broadcast %jit3A_282 : f32 to vector<32x512xf32>
    %select_n3A_285 = arith.select %and3A_280, %broadcast_in_dim3A_283, %broadcast_in_dim3A_284 : vector<32x512xi1>, vector<32x512xf32>
    %slice3A_286 = vector.extract_strided_slice %add3A_67 {offsets = [3072, 0], sizes = [512, 768], strides = [1, 1]} : vector<4096x768xf32> to vector<512x768xf32>
    %dot_general3A_287 = arith.constant dense<0.000000e+00> : vector<32x768xf32>
    %dot_general3A_288 = tpu.matmul %select_n3A_285, %slice3A_286, %dot_general3A_287 {dimension_numbers = #tpu.dot_dimension_numbers<[1], [0], [0], [1], [0, 0, 1, 1], [], []>, transpose_lhs_hint = false} : vector<32x512xf32>, vector<512x768xf32>, vector<32x768xf32> -> vector<32x768xf32>
    %get3A_289 = arith.constant 0 : index
    %get3A_290 = arith.constant 0 : index
    %get3A_291 = vector.load %arg9[%get3A_289, %get3A_290] : memref<32x768xf32, #tpu.memory_space<vmem>>, vector<32x768xf32>
    %add3A_292 = arith.addf %dot_general3A_288, %get3A_291 : vector<32x768xf32>
    %swap3A_293 = arith.constant 6 : index
    %swap3A_294 = arith.constant 0 : index
    %swap3A_295 = arith.constant 0 : index
    %swap3A_296 = vector.load %arg10[%swap3A_293, %swap3A_294, %swap3A_295] : memref<8x32x768xf32, #tpu.memory_space<vmem>>, vector<1x32x768xf32>
    %swap3A_297 = vector.shape_cast %swap3A_296 : vector<1x32x768xf32> to vector<32x768xf32>
    %swap3A_298 = vector.shape_cast %add3A_292 : vector<32x768xf32> to vector<1x32x768xf32>
    tpu.vector_store %arg10[%swap3A_293, %swap3A_294, %swap3A_295], %swap3A_298 {strides = array<i32>} : memref<8x32x768xf32, #tpu.memory_space<vmem>>, vector<1x32x768xf32>,
    %get3A_299 = arith.constant 7 : index
    %get3A_300 = arith.constant 0 : index
    %get3A_301 = vector.load %arg2[%get3A_299, %get3A_300] : memref<8x512xi32, #tpu.memory_space<vmem>>, vector<1x512xi32>
    %ne3A_302 = arith.constant 1 : i32
    %ne3A_303 = vector.broadcast %ne3A_302 : i32 to vector<1x512xi32>
    %ne3A_304 = arith.cmpi ne, %get3A_301, %ne3A_303 : vector<1x512xi32>
    %and3A_305 = vector.broadcast %ne3A_304 : vector<1x512xi1> to vector<32x512xi1>
    %and3A_306 = arith.andi %and3A_118, %and3A_305 : vector<32x512xi1>
    %jit3A_307 = arith.constant 0.0666666701 : f32
    %jit3A_308 = arith.constant 0.000000e+00 : f32
    %broadcast_in_dim3A_309 = vector.broadcast %jit3A_307 : f32 to vector<32x512xf32>
    %broadcast_in_dim3A_310 = vector.broadcast %jit3A_308 : f32 to vector<32x512xf32>
    %select_n3A_311 = arith.select %and3A_306, %broadcast_in_dim3A_309, %broadcast_in_dim3A_310 : vector<32x512xi1>, vector<32x512xf32>
    %slice3A_312 = vector.extract_strided_slice %add3A_67 {offsets = [3584, 0], sizes = [512, 768], strides = [1, 1]} : vector<4096x768xf32> to vector<512x768xf32>
    %dot_general3A_313 = arith.constant dense<0.000000e+00> : vector<32x768xf32>
    %dot_general3A_314 = tpu.matmul %select_n3A_311, %slice3A_312, %dot_general3A_313 {dimension_numbers = #tpu.dot_dimension_numbers<[1], [0], [0], [1], [0, 0, 1, 1], [], []>, transpose_lhs_hint = false} : vector<32x512xf32>, vector<512x768xf32>, vector<32x768xf32> -> vector<32x768xf32>
    %get3A_315 = arith.constant 0 : index
    %get3A_316 = arith.constant 0 : index
    %get3A_317 = vector.load %arg9[%get3A_315, %get3A_316] : memref<32x768xf32, #tpu.memory_space<vmem>>, vector<32x768xf32>
    %add3A_318 = arith.addf %dot_general3A_314, %get3A_317 : vector<32x768xf32>
    %swap3A_319 = arith.constant 7 : index
    %swap3A_320 = arith.constant 0 : index
    %swap3A_321 = arith.constant 0 : index
    %swap3A_322 = vector.load %arg10[%swap3A_319, %swap3A_320, %swap3A_321] : memref<8x32x768xf32, #tpu.memory_space<vmem>>, vector<1x32x768xf32>
    %swap3A_323 = vector.shape_cast %swap3A_322 : vector<1x32x768xf32> to vector<32x768xf32>
    %swap3A_324 = vector.shape_cast %add3A_318 : vector<32x768xf32> to vector<1x32x768xf32>
    tpu.vector_store %arg10[%swap3A_319, %swap3A_320, %swap3A_321], %swap3A_324 {strides = array<i32>} : memref<8x32x768xf32, #tpu.memory_space<vmem>>, vector<1x32x768xf32>,
    return
  }
  func.func @transform_0(%arg0: i32) -> (i32, i32) {
    %c0_i32 = arith.constant 0 : i32
    %c0_i32_0 = arith.constant 0 : i32
    %c0_i32_1 = arith.constant 0 : i32
    return %c0_i32, %c0_i32_0 : i32, i32
  }
  func.func @transform_1(%arg0: i32) -> (i32, i32) {
    %c0_i32 = arith.constant 0 : i32
    %c0_i32_0 = arith.constant 0 : i32
    %c0_i32_1 = arith.constant 0 : i32
    return %c0_i32, %c0_i32_0 : i32, i32
  }
  func.func @transform_2(%arg0: i32) -> i32 {
    %c0_i32 = arith.constant 0 : i32
    %c0_i32_0 = arith.constant 0 : i32
    return %c0_i32 : i32
  }
  func.func @transform_3(%arg0: i32) -> i32 {
    %c0_i32 = arith.constant 0 : i32
    %c0_i32_0 = arith.constant 0 : i32
    return %c0_i32 : i32
  }
  func.func @transform_4(%arg0: i32) -> (i32, i32) {
    %c0_i32 = arith.constant 0 : i32
    %c0_i32_0 = arith.constant 0 : i32
    %c0_i32_1 = arith.constant 0 : i32
    return %c0_i32, %c0_i32_0 : i32, i32
  }
  func.func @transform_5(%arg0: i32) -> i32 {
    %c0_i32 = arith.constant 0 : i32
    %c0_i32_0 = arith.constant 0 : i32
    return %c0_i32 : i32
  }
  func.func @transform_6(%arg0: i32) -> i32 {
    %c0_i32 = arith.constant 0 : i32
    %c0_i32_0 = arith.constant 0 : i32
    return %c0_i32 : i32
  }
  func.func @transform_7(%arg0: i32) -> i32 {
    %c0_i32 = arith.constant 0 : i32
    %c0_i32_0 = arith.constant 0 : i32
    return %c0_i32 : i32
  }
  func.func @transform_8(%arg0: i32) -> (i32, i32) {
    %c0_i32 = arith.constant 0 : i32
    %c0_i32_0 = arith.constant 0 : i32
    %c0_i32_1 = arith.constant 0 : i32
    return %c0_i32, %c0_i32_0 : i32, i32
  }
  func.func @transform_9(%arg0: i32) -> (i32, i32, i32) {
    %c0_i32 = arith.constant 0 : i32
    %c0_i32_0 = arith.constant 0 : i32
    %c0_i32_1 = arith.constant 0 : i32
    %c0_i32_2 = arith.constant 0 : i32
    return %c0_i32, %c0_i32_0, %c0_i32_1 : i32, i32, i32
  }
}

</mosaic_0001>

<sc_bundles>
// kernel: kernel.4.cloned.1.call-start
scs
__scs_entry_jumppad:
0x0: {  	(pc) =	sbr.rel $0x88, $3  }
0x1: {  	(tag) =	ssettag $0x0;
	lr =	simm.s32 $0x1  }
0x2: {  	[smem:$0x3F97] =	sst lr;
	_ =	strace $0xD0000000  }
0x3: {  	_ = 	snop  }
0x4: {  	_ = 	snop  }
0x5: {  	_ = 	snop  }
0x6: {  	_ = 	snop  }
0x7: {  	_ = 	snop  }
__scs_overlays_trampoline_lowered:
0x8: {  	[smem:$0x3FA6] =	sst s0  }
0x9: {  	[smem:$0x3FA7] =	sst s1  }
0xa: {  	[smem:$0x3FA8] =	sst s2  }
0xb: {  	[smem:$0x3FA9] =	sst s3  }
0xc: {  	[smem:$0x3FAA] =	sst s4  }
0xd: {  	[smem:$0x3FAB] =	sst s5  }
0xe: {  	[smem:$0x3FAC] =	sst s6  }
0xf: {  	[smem:$0x3FAD] =	sst s7  }
0x10: {  	[smem:$0x3FAE] =	sst s8  }
0x11: {  	[smem:$0x3FAF] =	sst s9;
	s0 =	simm.s32 @!p0 $0x0  }
0x12: {  	s1 =	sld [smem:$0x3F95];
	s0 =	simm.s32 @p0 $0x1  }
0x13: {  	[smem:$0x3FB0] =	sst s0;
	s0 =	simm.s32 @!p1 $0x0  }
0x14: {  	s2 =	sld [smem:$0x3F94];
	s0 =	simm.s32 @p1 $0x1  }
0x15: {  	[smem:$0x3FB1] =	sst s0;
	s0 =	simm.s32 @!p2 $0x0  }
0x16: {  	s3 =	sld [smem:$0x3FDB];
	s0 =	simm.s32 @p2 $0x1  }
0x17: {  	s4 =	simm.s32 $0x1BF5;
	[smem:$0x3FB3] =	sst s0  }
0x18: {  	s0 =	sld [smem:$0x3F96];
	_ =	swait.ge [sflag:s4], $0x0  }
0x19: {  	s7 =	sld [smem:$0x3F97]  }
0x1a: {  	s8 =	sadd.s32 $0xFFFFE003, lr  }
0x1b: {  	s9 =	sadd.s32 $0xFFFFFEF7, lr;
	s5 =	simm.s32 $0xFFFFFFFF;
	p2 =	slt.u32 s8, $0xFFFFF086  }
0x1c: {  	p1 =	slt.u32 s9, $0xF7A;
	s5 =	simm.s32 @!p2 $0x0  }
0x1d: {  	s5 =	simm.s32 @p1 $0x1;
	p0 =	seq.s32 s7, s2  }
0x1e: {  	s7 =	smul.u32 @!p0 $0xF7A, s2;
	p2 =	seq.s32 @!p0 s5, $0x0  }
0x1f: {  	s9 =	smul.u32 $0xF7A, s1;
	s8 =	simm.s32 @!p0 $0x1BF5;
	p2 =	por !p2, p0  }
0x20: {  	[sflag:s8] =	ssyncset.s32 @!p0 $0xFFFFF086;
	s6 =	sadd.s32 @!p0 s3, s7;
	s7 =	simm.s32 @!p0 $0x108  }
0x21: {  	s3 =	sadd.s32 s3, s9;
	s6 =	sadd.s32 @!p0 $0x88, s6;
	s7 =	simm.s32 @p2 $0x1082  }
0x22: {  	[simem:s7], [sflag:s8] =	dma.local @!p0 [hbm:s6], $0xF7A  }
0x23: {  	s9 =	sor.u32 $0xD0000000, s2;
	s6 =	simm.s32 $0x108;
	_ =	swait.ge @!p0 [sflag:s8], $0x0  }
0x24: {  	s3 =	sadd.s32 $0x88, s3;
	s6 =	simm.s32 @!p1 $0x1082;
	[sflag:s4] =	ssyncset.s32 $0xFFFFF086  }
0x25: {  	[simem:s6], [sflag:s4] =	dma.local [hbm:s3], $0xF7A  }
0x26: {  	[smem:$0x3F97] =	sst s1;
	(tag) =	ssettag s2;
	_ =	strace s9  }
0x27: {  	s1 =	sld [smem:$0x3FA7]  }
0x28: {  	s2 =	sld [smem:$0x3FA8]  }
0x29: {  	s4 =	sld [smem:$0x3FAA]  }
0x2a: {  	p0 =	seq.s32 s5, $0x0;
	s5 =	sld [smem:$0x3FAB]  }
0x2b: {  	s6 =	sld [smem:$0x3FAC]  }
0x2c: {  	s7 =	sld [smem:$0x3FAD]  }
0x2d: {  	s3 =	simm.s32 $0x108;
	s8 =	sld [smem:$0x3FAE]  }
0x2e: {  	s3 =	simm.s32 @!p0 $0x1082;
	s9 =	sld [smem:$0x3FAF]  }
0x2f: {  	lr =	sadd.s32 s0, s3;
	s0 =	sld [smem:$0x3FA6]  }
0x30: {  	s3 =	sld [smem:$0x3FA9]  }
0x31: {  	[smem:$0x3FB2] =	sst s10  }
0x32: {  	s10 =	sld [smem:$0x3FB0];
	_ =	sdelay $0x3  }
0x33: {  	p0 =	seq.s32 s10, $0x1;
	s10 =	sld [smem:$0x3FB2];
	_ =	sdelay $0x3  }
0x34: {  	[smem:$0x3FB2] =	sst s10  }
0x35: {  	s10 =	sld [smem:$0x3FB1];
	_ =	sdelay $0x3  }
0x36: {  	p1 =	seq.s32 s10, $0x1;
	s10 =	sld [smem:$0x3FB2];
	_ =	sdelay $0x3  }
0x37: {  	[smem:$0x3FB2] =	sst s10  }
0x38: {  	s10 =	sld [smem:$0x3FB3]  }
0x39: {  	_ = 	snop;
	(pc) =	sbr.ind lr, $3  }
0x3a: {  	_ = 	snop  }
0x3b: {  	_ = 	snop  }
0x3c: {  	p2 =	seq.s32 s10, $0x1;
	s10 =	sld [smem:$0x3FB2]  }
0x3d: {  	_ =	shalt  }
0x3e: {  	_ =	shalt  }
0x3f: {  	_ =	shalt  }
0x40: {  	_ =	shalt  }
0x41: {  	_ =	shalt  }
0x42: {  	_ =	shalt  }
0x43: {  	_ =	shalt  }
0x44: {  	_ =	shalt  }
0x45: {  	_ =	shalt  }
0x46: {  	_ =	shalt  }
0x47: {  	_ =	shalt  }
0x48: {  	_ =	shalt  }
0x49: {  	_ =	shalt  }
0x4a: {  	_ =	shalt  }
0x4b: {  	_ =	shalt  }
0x4c: {  	_ =	shalt  }
0x4d: {  	_ =	shalt  }
0x4e: {  	_ =	shalt  }
0x4f: {  	_ =	shalt  }
0x50: {  	_ =	shalt  }
0x51: {  	_ =	shalt  }
0x52: {  	_ =	shalt  }
0x53: {  	_ =	shalt  }
0x54: {  	_ =	shalt  }
0x55: {  	_ =	shalt  }
0x56: {  	_ =	shalt  }
0x57: {  	_ =	shalt  }
0x58: {  	_ =	shalt  }
0x59: {  	_ =	shalt  }
0x5a: {  	_ =	shalt  }
0x5b: {  	_ =	shalt  }
0x5c: {  	_ =	shalt  }
0x5d: {  	_ =	shalt  }
0x5e: {  	_ =	shalt  }
0x5f: {  	_ =	shalt  }
0x60: {  	_ =	shalt  }
0x61: {  	_ =	shalt  }
0x62: {  	_ =	shalt  }
0x63: {  	_ =	shalt  }
0x64: {  	_ =	shalt  }
0x65: {  	_ =	shalt  }
0x66: {  	_ =	shalt  }
0x67: {  	_ =	shalt  }
0x68: {  	_ =	shalt  }
0x69: {  	_ =	shalt  }
0x6a: {  	_ =	shalt  }
0x6b: {  	_ =	shalt  }
0x6c: {  	_ =	shalt  }
0x6d: {  	_ =	shalt  }
0x6e: {  	_ =	shalt  }
0x6f: {  	_ =	shalt  }
0x70: {  	_ =	shalt  }
0x71: {  	_ =	shalt  }
0x72: {  	_ =	shalt  }
0x73: {  	_ =	shalt  }
0x74: {  	_ =	shalt  }
0x75: {  	_ =	shalt  }
0x76: {  	_ =	shalt  }
0x77: {  	_ =	shalt  }
0x78: {  	_ =	shalt  }
0x79: {  	_ =	shalt  }
0x7a: {  	_ =	shalt  }
0x7b: {  	_ =	shalt  }
0x7c: {  	_ =	shalt  }
0x7d: {  	_ =	shalt  }
0x7e: {  	_ =	shalt  }
0x7f: {  	_ =	shalt  }
0x80: {  	_ =	shalt  }
0x81: {  	_ =	shalt  }
0x82: {  	_ =	shalt  }
0x83: {  	_ =	shalt  }
0x84: {  	_ =	shalt  }
0x85: {  	_ =	shalt  }
0x86: {  	_ =	shalt  }
0x87: {  	_ =	shalt  }
.Lfunc_end0:
.L_simem_size_0:
called_computation_lowered:
.L_overlay_start_0:
0x88: {  	s2 =	sld [smem:$0x3FD9]  }
0x89: {  	s3 =	sld [smem:$0x3FFE];
	_ =	sdelay $0x1  }
0x8a: {  	s1 =	srdreg.scid  }
0x8b: {  	s0 =	sand.u32 $0x1, s1  }
0x8c: {  	s17 =	sshll.u32 s0, $0xA;
	s2 =	sadd.s32 s3, s2  }
0x8d: {  	s2 =	sadd.s32 s2, s17  }
0x8e: {  	[smem:$0x3FBE] =	sst s2  }
0x8f: {  	_ = 	snop  }
0x90: {  	s2 =	sld [smem:$0x3FC9];
	(tm) =	ssettm $0x1  }
0x91: {  	s18 =	sld [smem:$0x3FFB];
	_ =	sdelay $0x3  }
0x92: {  	_ =	strace s18  }
0x93: {  	s3 =	sld [smem:$0x3FFC];
	_ =	sdelay $0x3  }
0x94: {  	_ =	strace s3  }
0x95: {  	s3 =	sld [smem:$0x3FFD];
	_ =	sdelay $0x3  }
0x96: {  	_ =	strace s3  }
0x97: {  	_ =	strace $0x8FFFFFFF  }
0x98: {  	s19 =	sld [smem:$0x3FDB];
	_ =	sdelay $0x1  }
0x99: {  	s4 =	simm.s32 $_scs_section_size  }
0x9a: {  	s5 =	simm.s32 $_size__tile_overlayer_lowered;
	s6 =	simm.s32 $_tile_overlayer_lowered  }
0x9b: {  	s22 =	simm.s32 $0x1BFF;
	s21 =	sshll.u32 s6, $0x1;
	s3 =	sadd.s32 s4, s19  }
0x9c: {  	s7 =	simm.s32 $0x0;
	s20 =	sshll.u32 s5, $0x1;
	s5 =	sadd.s32 s21, s3  }
0x9d: {  	[timem:s7], [sflag:s22] =	dma.local [hbm:s5], s20  }
0x9e: {  	_ =	swait.ge [sflag:s22], s20  }
0x9f: {  	s4 =	ssub.s32 $0x0, s20;
	[sflag:s22] =	ssyncset.done $0x0  }
0xa0: {  	[sflag:s22] =	ssyncadd.s32 s4;
	_ =	sdelay $0x1  }
0xa1: {  	s23 =	simm.s32 $0x1B8B  }
0xa2: {  	_ =	swait.ge [sflag:s23], $0x1  }
0xa3: {  	[sflag:s23] =	ssyncset.done $0x0  }
0xa4: {  	s25 =	simm.s32 $0x1B8E;
	s24 =	sld [smem:$0x3FFE];
	[sflag:s23] =	ssyncadd.s32 $0xFFFFFFFF  }
0xa5: {  	s26 =	simm.s32 $execute0_lowered;
	[smem:$0x3FD2] =	sst s25  }
0xa6: {  	s5 =	sshll.u32 s26, $0x1;
	_ =	strace $0x80000046;
	[dreg:$0x1] =	wrdreg $0xFFFFFFFF  }
0xa7: {  	s28 =	simm.s32 $_size_execute0_lowered;
	s3 =	sadd.s32 s3, s5;
	[dreg:$0x0] =	wrdreg $0x0  }
0xa8: {  	s5 =	sshll.u32 s28, $0x1;
	[dreg:$0x2] =	wrdreg s3  }
0xa9: {  	[dreg:$0x3] =	wrdreg s5  }
0xaa: {  	[dreg:$0x4] =	wrdreg $0xC0  }
0xab: {  	_ =	task [dreg:s7], $0x5FFFF  }
0xac: {  	[dreg:$0x1] =	wrdreg $0xFFFFFFFF  }
0xad: {  	[dreg:$0x0] =	wrdreg $0x60  }
0xae: {  	[dreg:$0x2] =	wrdreg s24  }
0xaf: {  	[dreg:$0x3] =	wrdreg s2  }
0xb0: {  	[dreg:$0x4] =	wrdreg $0x9  }
0xb1: {  	_ =	task.clear_ibuf [dreg:s7], $0x5FFFF;
	_ =	strace $0x90000046  }
0xb2: {  	s29 =	simm.s32 $0x9;
	_ =	strace $0x80000048  }
0xb3: {  	_ =	swait.ge [sflag:s29], $0x1  }
0xb4: {  	[sflag:s29] =	ssyncadd.s32 $0xFFFFFFFF  }
0xb5: {  	_ =	strace $0x90000048  }
0xb6: {  	_ =	sfence  }
0xb7: {  	s30 =	sld [smem:$0x0];
	_ =	sdelay $0x2  }
0xb8: {  	s31 =	sshll.u32 s1, $0xD;
	s1 =	sshrl.u32 s1, $0x2  }
0xb9: {  	s3 =	sand.u32 $0x4000, s31;
	s1 =	sadd.s32 s1, s30  }
0xba: {  	s0 =	sor.u32 s3, s0;
	s1 =	sshll.u32 s1, $0x11  }
0xbb: {  	s0 =	sor.u32 s1, s0  }
0xbc: {  	s0 =	sadd.s32 $0x8F2B, s0  }
0xbd: {  	[sflag:s0] =	ssyncadd.remote.s32 $0x1  }
0xbe: {  	_ =	sfence.sel $0xFFFF  }
0xbf: {  	[dreg:$0x0] =	wrdreg $0xFFFFFFFF;
	(pc) =	sbr.abs _section_cstart, $3  }
0xc0: {  	[dreg:$0x1] =	wrdreg $0xFFFFFFFF  }
0xc1: {  	_ =	task.clear_ibuf [dreg:s7], $0x2FFFF;
	_ =	strace $0x9FFFFFFF  }
0xc2: {  	(tm) =	ssettm $0x7FFFFFFF  }
0xc3: {  	_ =	shalt  }
tec
execute0_lowered:
.L_overlay_start_1:
0x0: {  	(tag) =	ssettag $0x1  }
0x1: {  	s0 =	srdreg.scid  }
0x2: {  	s1 =	rddreg [dreg:$0x0];
	s7 =	stileid.u32  }
0x3: {  	s4 =	rddreg [dreg:$0x1];
	s2 =	simm.s32 $0x0;
	s8 =	simm.s32 $0x80  }
0x4: {  	s16 =	simm.s32 $0x1580;
	s17 =	simm.s32 $0xE00;
	s18 =	simm.s32 $0x1200  }
0x5: {  	s19 =	simm.s32 $0x1600;
	s20 =	simm.s32 $0xE80;
	s21 =	simm.s32 $0x1280  }
0x6: {  	s22 =	simm.s32 $0x1680;
	s23 =	simm.s32 $0xF00;
	s24 =	simm.s32 $0x1300  }
0x7: {  	s25 =	simm.s32 $0x1700;
	s28 =	simm.s32 $0x1380;
	s29 =	simm.s32 $0x1780  }
0x8: {  	s30 =	simm.s32 $0x1000;
	s31 =	simm.s32 $0x1400;
	s9 =	simm.s32 $0x0  }
0x9: {  	s0 =	sand.u32 $0x1, s0;
	s3 =	sshll.u32 s7, $0x8;
	[smem:$0x7FF] =	sst s2  }
0xa: {  	s7 =	sshll.u32 s7, $0x3;
	s5 =	sshll.u32 s0, $0x7;
	_ =	strace $0x80000047  }
0xb: {  	vm0 =	vmmov $0x1;
	s0 =	ssub.s32 $0x2, s0;
	s7 =	sand.u32 $0x70, s7;
	s5 =	sor.u32 s5, s3  }
0xc: {  	vm1 =	vcmask $0x308;
	vm2 =	vcmask $0x70C;
	vm3 =	vcmask $0xB10;
	s26 =	sshrl.u32 s0, $0x1;
	s4 =	sadd.s32 s4, s7;
	s3 =	sshrl.u32 s5, $0x3  }
0xd: {  	vm4 =	vcmask $0xF14;
	vm5 =	vcmask $0x1318;
	vm6 =	vcmask $0x171C;
	s7 =	simm.s32 $0x2;
	s0 =	ssub.s32 s0, s26;
	s6 =	smul.u32 $0x180, s3  }
0xe: {  	vm7 =	vcmask $0x1B20;
	vm8 =	vcmask $0x1F24;
	vm9 =	vcmask $0x2328;
	s5 =	sand.u32 $0x180, s5;
	s26 =	simm.s32 $0xF80;
	s3 =	sadd.s32 $0x1600, s1  }
0xf: {  	vm10 =	vcmask $0x272C;
	vm11 =	vcmask $0x2B30;
	vm12 =	vcmask $0x2F34;
	s4 =	sadd.s32 s5, s4;
	s1 =	sadd.s32 s6, s1;
	s6 =	smax.u32 s0, $0x1  }
0x10: {  	vm13 =	vcmask $0x3338;
	vm14 =	vcmask $0x373C;
	vm15 =	vmmov $0x7fff;
	s0 =	simm.s32 $0x1;
	s5 =	sadd.s32 $0x167200, s1;
	s1 =	simm.s32 $0x1800  }
.LBB2_1:
0x11: {  	[tilespmem:s2], [sflag:$0x2] =	stream.linear.gather [hbm4b:s4+s2], $0x80, $0x38;
	[tilespmem:$0xC080] =	vst v63  }
0x12: {  	_ =	swait.ge [sflag:s7], $0x80  }
0x13: {  	[sflag:s7] =	ssyncset.done $0x0  }
0x14: {  	[sflag:s7] =	ssyncadd.s32 $0xFFFFFF80  }
0x15: {  	v0 =	vld [tilespmem:$0x0];
	_ =	sdelay $0x4  }
0x16: {  	v1 =	vnsel vm0, $0x0, v0  }
0x17: {  	(xrf0) =	vadd.scan.msk.s32 $0xffff, v1;
	_ =	sdelay $0x5  }
0x18: {  	v1, _, _ =	vpop (xrf0)  }
0x19: {  	v50 =	vsel vm1, $0x0, v0;
	(v2sf) =	vpush v1, $0xF  }
0x1a: {  	(xrf0) =	vadd.scan.msk.s32 $0xffff, v50;
	_ =	sdelay $0x5  }
0x1b: {  	v1, _, _ =	vpop (xrf0)  }
0x1c: {  	(v2sf) =	vpush v1, $0xF;
	_ =	sdelay $0x1  }
0x1d: {  	v51 =	vsel vm2, $0x0, v0  }
0x1e: {  	(xrf0) =	vadd.scan.msk.s32 $0xffff, v51;
	_ =	sdelay $0x3  }
0x1f: {  	s10 =	spop (v2sf)  }
0x20: {  	s11 =	sshrl.u32 s10, $0x3  }
0x21: {  	v1, _, _ =	vpop (xrf0);
	s10 =	sshll.u32 s10, $0x7;
	s11 =	smul.u32 $0xC00, s11  }
0x22: {  	(v2sf) =	vpush v1, $0xF;
	s10 =	sand.u32 $0x380, s10  }
0x23: {  	s10 =	sor.u32 s10, s11  }
0x24: {  	v52 =	vsel vm3, $0x0, v0;
	s10 =	sshrl.u32 s10, $0x3  }
0x25: {  	(xrf0) =	vadd.scan.msk.s32 $0xffff, v52;
	s10 =	sadd.s32 s3, s10  }
0x26: {  	[tilespmem:s8], [sflag:$0x1] =	stream.linear.gather [hbm4b:s10+s2], $0x80, $0x38;
	[tilespmem:$0xC080] =	vst v63  }
0x27: {  	s12 =	simm.s32 $0x480;
	s13 =	spop (v2sf);
	s15 =	sadd.s32 $0x80, s10  }
0x28: {  	[tilespmem:s12], [sflag:$0x1] =	stream.linear.gather [hbm4b:s15+s2], $0x80, $0x38;
	[tilespmem:$0xC080] =	vst v63  }
0x29: {  	s10 =	sadd.s32 $0x100, s10;
	s14 =	sshrl.u32 s13, $0x3;
	s12 =	simm.s32 $0x880  }
0x2a: {  	[tilespmem:s12], [sflag:$0x1] =	stream.linear.gather [hbm4b:s10+s2], $0x80, $0x38;
	[tilespmem:$0xC080] =	vst v63  }
0x2b: {  	v1, _, _ =	vpop (xrf0);
	s11 =	smul.u32 $0xC00, s14;
	s10 =	sshll.u32 s13, $0x7  }
0x2c: {  	(v2sf) =	vpush v1, $0xF;
	s10 =	sand.u32 $0x380, s10  }
0x2d: {  	s10 =	sor.u32 s10, s11  }
0x2e: {  	v53 =	vsel vm4, $0x0, v0;
	s10 =	sshrl.u32 s10, $0x3  }
0x2f: {  	(xrf0) =	vadd.scan.msk.s32 $0xffff, v53;
	s15 =	simm.s32 $0x100;
	s10 =	sadd.s32 s3, s10  }
0x30: {  	[tilespmem:s15], [sflag:$0x1] =	stream.linear.gather [hbm4b:s10+s2], $0x80, $0x38;
	[tilespmem:$0xC080] =	vst v63  }
0x31: {  	s13 =	simm.s32 $0x500;
	s12 =	sadd.s32 $0x80, s10;
	s15 =	spop (v2sf)  }
0x32: {  	[tilespmem:s13], [sflag:$0x1] =	stream.linear.gather [hbm4b:s12+s2], $0x80, $0x38;
	[tilespmem:$0xC080] =	vst v63  }
0x33: {  	s14 =	simm.s32 $0x900;
	s10 =	sadd.s32 $0x100, s10;
	s12 =	sshrl.u32 s15, $0x3  }
0x34: {  	[tilespmem:s14], [sflag:$0x1] =	stream.linear.gather [hbm4b:s10+s2], $0x80, $0x38;
	[tilespmem:$0xC080] =	vst v63  }
0x35: {  	v1, _, _ =	vpop (xrf0);
	s11 =	smul.u32 $0xC00, s12;
	s10 =	sshll.u32 s15, $0x7  }
0x36: {  	(v2sf) =	vpush v1, $0xF;
	s10 =	sand.u32 $0x380, s10  }
0x37: {  	s10 =	sor.u32 s10, s11  }
0x38: {  	v54 =	vsel vm5, $0x0, v0;
	s10 =	sshrl.u32 s10, $0x3  }
0x39: {  	(xrf0) =	vadd.scan.msk.s32 $0xffff, v54;
	s13 =	simm.s32 $0x180;
	s10 =	sadd.s32 s3, s10  }
0x3a: {  	[tilespmem:s13], [sflag:$0x1] =	stream.linear.gather [hbm4b:s10+s2], $0x80, $0x38;
	[tilespmem:$0xC080] =	vst v63  }
0x3b: {  	s15 =	simm.s32 $0x580;
	s14 =	sadd.s32 $0x80, s10;
	s13 =	spop (v2sf)  }
0x3c: {  	[tilespmem:s15], [sflag:$0x1] =	stream.linear.gather [hbm4b:s14+s2], $0x80, $0x38;
	[tilespmem:$0xC080] =	vst v63  }
0x3d: {  	s12 =	simm.s32 $0x980;
	s10 =	sadd.s32 $0x100, s10;
	s14 =	sshrl.u32 s13, $0x3  }
0x3e: {  	[tilespmem:s12], [sflag:$0x1] =	stream.linear.gather [hbm4b:s10+s2], $0x80, $0x38;
	[tilespmem:$0xC080] =	vst v63  }
0x3f: {  	v1, _, _ =	vpop (xrf0);
	s11 =	smul.u32 $0xC00, s14;
	s10 =	sshll.u32 s13, $0x7  }
0x40: {  	(v2sf) =	vpush v1, $0xF;
	s10 =	sand.u32 $0x380, s10  }
0x41: {  	s10 =	sor.u32 s10, s11  }
0x42: {  	v55 =	vsel vm6, $0x0, v0;
	s10 =	sshrl.u32 s10, $0x3  }
0x43: {  	(xrf0) =	vadd.scan.msk.s32 $0xffff, v55;
	s15 =	simm.s32 $0x200;
	s10 =	sadd.s32 s3, s10  }
0x44: {  	[tilespmem:s15], [sflag:$0x1] =	stream.linear.gather [hbm4b:s10+s2], $0x80, $0x38;
	[tilespmem:$0xC080] =	vst v63  }
0x45: {  	s13 =	simm.s32 $0x600;
	s12 =	sadd.s32 $0x80, s10;
	s15 =	spop (v2sf)  }
0x46: {  	[tilespmem:s13], [sflag:$0x1] =	stream.linear.gather [hbm4b:s12+s2], $0x80, $0x38;
	[tilespmem:$0xC080] =	vst v63  }
0x47: {  	s14 =	simm.s32 $0xA00;
	s10 =	sadd.s32 $0x100, s10;
	s12 =	sshrl.u32 s15, $0x3  }
0x48: {  	[tilespmem:s14], [sflag:$0x1] =	stream.linear.gather [hbm4b:s10+s2], $0x80, $0x38;
	[tilespmem:$0xC080] =	vst v63  }
0x49: {  	v1, _, _ =	vpop (xrf0);
	s11 =	smul.u32 $0xC00, s12;
	s10 =	sshll.u32 s15, $0x7  }
0x4a: {  	(v2sf) =	vpush v1, $0xF;
	s10 =	sand.u32 $0x380, s10  }
0x4b: {  	s10 =	sor.u32 s10, s11  }
0x4c: {  	v56 =	vsel vm7, $0x0, v0;
	s10 =	sshrl.u32 s10, $0x3  }
0x4d: {  	(xrf0) =	vadd.scan.msk.s32 $0xffff, v56;
	s13 =	simm.s32 $0x280;
	s10 =	sadd.s32 s3, s10  }
0x4e: {  	[tilespmem:s13], [sflag:$0x1] =	stream.linear.gather [hbm4b:s10+s2], $0x80, $0x38;
	[tilespmem:$0xC080] =	vst v63  }
0x4f: {  	s15 =	simm.s32 $0x680;
	s14 =	sadd.s32 $0x80, s10;
	s13 =	spop (v2sf)  }
0x50: {  	[tilespmem:s15], [sflag:$0x1] =	stream.linear.gather [hbm4b:s14+s2], $0x80, $0x38;
	[tilespmem:$0xC080] =	vst v63  }
0x51: {  	s12 =	simm.s32 $0xA80;
	s10 =	sadd.s32 $0x100, s10;
	s14 =	sshrl.u32 s13, $0x3  }
0x52: {  	[tilespmem:s12], [sflag:$0x1] =	stream.linear.gather [hbm4b:s10+s2], $0x80, $0x38;
	[tilespmem:$0xC080] =	vst v63  }
0x53: {  	v1, _, _ =	vpop (xrf0);
	s11 =	smul.u32 $0xC00, s14;
	s10 =	sshll.u32 s13, $0x7  }
0x54: {  	(v2sf) =	vpush v1, $0xF;
	s10 =	sand.u32 $0x380, s10  }
0x55: {  	s10 =	sor.u32 s10, s11  }
0x56: {  	v57 =	vsel vm8, $0x0, v0;
	s10 =	sshrl.u32 s10, $0x3  }
0x57: {  	(xrf0) =	vadd.scan.msk.s32 $0xffff, v57;
	s15 =	simm.s32 $0x300;
	s10 =	sadd.s32 s3, s10  }
0x58: {  	[tilespmem:s15], [sflag:$0x1] =	stream.linear.gather [hbm4b:s10+s2], $0x80, $0x38;
	[tilespmem:$0xC080] =	vst v63  }
0x59: {  	s13 =	simm.s32 $0x700;
	s12 =	sadd.s32 $0x80, s10;
	s15 =	spop (v2sf)  }
0x5a: {  	[tilespmem:s13], [sflag:$0x1] =	stream.linear.gather [hbm4b:s12+s2], $0x80, $0x38;
	[tilespmem:$0xC080] =	vst v63  }
0x5b: {  	s14 =	simm.s32 $0xB00;
	s10 =	sadd.s32 $0x100, s10;
	s12 =	sshrl.u32 s15, $0x3  }
0x5c: {  	[tilespmem:s14], [sflag:$0x1] =	stream.linear.gather [hbm4b:s10+s2], $0x80, $0x38;
	[tilespmem:$0xC080] =	vst v63  }
0x5d: {  	v1, _, _ =	vpop (xrf0);
	s11 =	smul.u32 $0xC00, s12;
	s10 =	sshll.u32 s15, $0x7  }
0x5e: {  	(v2sf) =	vpush v1, $0xF;
	s10 =	sand.u32 $0x380, s10  }
0x5f: {  	s10 =	sor.u32 s10, s11  }
0x60: {  	v58 =	vsel vm9, $0x0, v0;
	s10 =	sshrl.u32 s10, $0x3  }
0x61: {  	(xrf0) =	vadd.scan.msk.s32 $0xffff, v58;
	s13 =	simm.s32 $0x380;
	s10 =	sadd.s32 s3, s10  }
0x62: {  	[tilespmem:s13], [sflag:$0x1] =	stream.linear.gather [hbm4b:s10+s2], $0x80, $0x38;
	[tilespmem:$0xC080] =	vst v63  }
0x63: {  	s15 =	simm.s32 $0x780;
	s14 =	sadd.s32 $0x80, s10;
	s13 =	spop (v2sf)  }
0x64: {  	[tilespmem:s15], [sflag:$0x1] =	stream.linear.gather [hbm4b:s14+s2], $0x80, $0x38;
	[tilespmem:$0xC080] =	vst v63  }
0x65: {  	s12 =	simm.s32 $0xB80;
	s10 =	sadd.s32 $0x100, s10;
	s14 =	sshrl.u32 s13, $0x3  }
0x66: {  	[tilespmem:s12], [sflag:$0x1] =	stream.linear.gather [hbm4b:s10+s2], $0x80, $0x38;
	[tilespmem:$0xC080] =	vst v63  }
0x67: {  	v1, _, _ =	vpop (xrf0);
	s11 =	smul.u32 $0xC00, s14;
	s10 =	sshll.u32 s13, $0x7  }
0x68: {  	(v2sf) =	vpush v1, $0xF;
	s10 =	sand.u32 $0x380, s10  }
0x69: {  	s10 =	sor.u32 s10, s11  }
0x6a: {  	v59 =	vsel vm10, $0x0, v0;
	s10 =	sshrl.u32 s10, $0x3  }
0x6b: {  	(xrf0) =	vadd.scan.msk.s32 $0xffff, v59;
	s15 =	simm.s32 $0x400;
	s10 =	sadd.s32 s3, s10  }
0x6c: {  	[tilespmem:s15], [sflag:$0x1] =	stream.linear.gather [hbm4b:s10+s2], $0x80, $0x38;
	[tilespmem:$0xC080] =	vst v63  }
0x6d: {  	s13 =	simm.s32 $0x800;
	s12 =	sadd.s32 $0x80, s10;
	s15 =	spop (v2sf)  }
0x6e: {  	[tilespmem:s13], [sflag:$0x1] =	stream.linear.gather [hbm4b:s12+s2], $0x80, $0x38;
	[tilespmem:$0xC080] =	vst v63  }
0x6f: {  	s14 =	simm.s32 $0xC00;
	s10 =	sadd.s32 $0x100, s10;
	s12 =	sshrl.u32 s15, $0x3  }
0x70: {  	[tilespmem:s14], [sflag:$0x1] =	stream.linear.gather [hbm4b:s10+s2], $0x80, $0x38;
	[tilespmem:$0xC080] =	vst v63  }
0x71: {  	v1, _, _ =	vpop (xrf0);
	s11 =	smul.u32 $0xC00, s12;
	s10 =	sshll.u32 s15, $0x7  }
0x72: {  	(v2sf) =	vpush v1, $0xF;
	s10 =	sand.u32 $0x380, s10  }
0x73: {  	s10 =	sor.u32 s10, s11  }
0x74: {  	v60 =	vsel vm11, $0x0, v0;
	s10 =	sshrl.u32 s10, $0x3  }
0x75: {  	(xrf0) =	vadd.scan.msk.s32 $0xffff, v60;
	s13 =	simm.s32 $0xC80;
	s10 =	sadd.s32 s3, s10  }
0x76: {  	[tilespmem:s13], [sflag:$0x1] =	stream.linear.gather [hbm4b:s10+s2], $0x80, $0x38;
	[tilespmem:$0xC080] =	vst v63  }
0x77: {  	s15 =	simm.s32 $0x1080;
	s14 =	sadd.s32 $0x80, s10;
	s13 =	spop (v2sf)  }
0x78: {  	[tilespmem:s15], [sflag:$0x1] =	stream.linear.gather [hbm4b:s14+s2], $0x80, $0x38;
	[tilespmem:$0xC080] =	vst v63  }
0x79: {  	s12 =	simm.s32 $0x1480;
	s10 =	sadd.s32 $0x100, s10;
	s14 =	sshrl.u32 s13, $0x3  }
0x7a: {  	[tilespmem:s12], [sflag:$0x1] =	stream.linear.gather [hbm4b:s10+s2], $0x80, $0x38;
	[tilespmem:$0xC080] =	vst v63  }
0x7b: {  	v1, _, _ =	vpop (xrf0);
	s11 =	smul.u32 $0xC00, s14;
	s10 =	sshll.u32 s13, $0x7  }
0x7c: {  	(v2sf) =	vpush v1, $0xF;
	s10 =	sand.u32 $0x380, s10  }
0x7d: {  	s10 =	sor.u32 s10, s11  }
0x7e: {  	v61 =	vsel vm12, $0x0, v0;
	s10 =	sshrl.u32 s10, $0x3  }
0x7f: {  	(xrf0) =	vadd.scan.msk.s32 $0xffff, v61;
	s15 =	simm.s32 $0xD00;
	s10 =	sadd.s32 s3, s10  }
0x80: {  	[tilespmem:s15], [sflag:$0x1] =	stream.linear.gather [hbm4b:s10+s2], $0x80, $0x38;
	[tilespmem:$0xC080] =	vst v63  }
0x81: {  	s13 =	simm.s32 $0x1100;
	s12 =	sadd.s32 $0x80, s10;
	s15 =	spop (v2sf)  }
0x82: {  	[tilespmem:s13], [sflag:$0x1] =	stream.linear.gather [hbm4b:s12+s2], $0x80, $0x38;
	[tilespmem:$0xC080] =	vst v63  }
0x83: {  	s14 =	simm.s32 $0x1500;
	s10 =	sadd.s32 $0x100, s10;
	s12 =	sshrl.u32 s15, $0x3  }
0x84: {  	[tilespmem:s14], [sflag:$0x1] =	stream.linear.gather [hbm4b:s10+s2], $0x80, $0x38;
	[tilespmem:$0xC080] =	vst v63  }
0x85: {  	v1, _, _ =	vpop (xrf0);
	s11 =	smul.u32 $0xC00, s12;
	s10 =	sshll.u32 s15, $0x7  }
0x86: {  	(v2sf) =	vpush v1, $0xF;
	s10 =	sand.u32 $0x380, s10  }
0x87: {  	s10 =	sor.u32 s10, s11  }
0x88: {  	v62 =	vsel vm13, $0x0, v0;
	s10 =	sshrl.u32 s10, $0x3  }
0x89: {  	(xrf0) =	vadd.scan.msk.s32 $0xffff, v62;
	s13 =	simm.s32 $0xD80;
	s10 =	sadd.s32 s3, s10  }
0x8a: {  	[tilespmem:s13], [sflag:$0x1] =	stream.linear.gather [hbm4b:s10+s2], $0x80, $0x38;
	[tilespmem:$0xC080] =	vst v63  }
0x8b: {  	s15 =	simm.s32 $0x1180;
	s14 =	sadd.s32 $0x80, s10;
	s13 =	spop (v2sf)  }
0x8c: {  	[tilespmem:s15], [sflag:$0x1] =	stream.linear.gather [hbm4b:s14+s2], $0x80, $0x38;
	[tilespmem:$0xC080] =	vst v63  }
0x8d: {  	s10 =	sadd.s32 $0x100, s10;
	s14 =	sshrl.u32 s13, $0x3  }
0x8e: {  	[tilespmem:s16], [sflag:$0x1] =	stream.linear.gather [hbm4b:s10+s2], $0x80, $0x38;
	[tilespmem:$0xC080] =	vst v63  }
0x8f: {  	v1, _, _ =	vpop (xrf0);
	s11 =	smul.u32 $0xC00, s14;
	s10 =	sshll.u32 s13, $0x7  }
0x90: {  	(v2sf) =	vpush v1, $0xF;
	s10 =	sand.u32 $0x380, s10  }
0x91: {  	s10 =	sor.u32 s10, s11  }
0x92: {  	v63 =	vsel vm14, $0x0, v0;
	s10 =	sshrl.u32 s10, $0x3  }
0x93: {  	(xrf0) =	vadd.scan.msk.s32 $0xffff, v63;
	s10 =	sadd.s32 s3, s10  }
0x94: {  	[tilespmem:s17], [sflag:$0x1] =	stream.linear.gather [hbm4b:s10+s2], $0x80, $0x38;
	[tilespmem:$0xC080] =	vst v63  }
0x95: {  	s12 =	spop (v2sf);
	s15 =	sadd.s32 $0x80, s10  }
0x96: {  	[tilespmem:s18], [sflag:$0x1] =	stream.linear.gather [hbm4b:s15+s2], $0x80, $0x38;
	[tilespmem:$0xC080] =	vst v63  }
0x97: {  	s13 =	sshrl.u32 s12, $0x3;
	s10 =	sadd.s32 $0x100, s10  }
0x98: {  	[tilespmem:s19], [sflag:$0x1] =	stream.linear.gather [hbm4b:s10+s2], $0x80, $0x38;
	[tilespmem:$0xC080] =	vst v63  }
0x99: {  	v1, _, _ =	vpop (xrf0);
	s11 =	smul.u32 $0xC00, s13;
	s10 =	sshll.u32 s12, $0x7  }
0x9a: {  	(v2sf) =	vpush v1, $0xF;
	s10 =	sand.u32 $0x380, s10  }
0x9b: {  	s10 =	sor.u32 s10, s11  }
0x9c: {  	v0 =	vsel vm15, $0x0, v0;
	s10 =	sshrl.u32 s10, $0x3  }
0x9d: {  	(xrf0) =	vadd.scan.msk.s32 $0xffff, v0;
	s10 =	sadd.s32 s3, s10  }
0x9e: {  	[tilespmem:s20], [sflag:$0x1] =	stream.linear.gather [hbm4b:s10+s2], $0x80, $0x38;
	[tilespmem:$0xC080] =	vst v63  }
0x9f: {  	s15 =	spop (v2sf);
	s14 =	sadd.s32 $0x80, s10  }
0xa0: {  	[tilespmem:s21], [sflag:$0x1] =	stream.linear.gather [hbm4b:s14+s2], $0x80, $0x38;
	[tilespmem:$0xC080] =	vst v63  }
0xa1: {  	s12 =	sshrl.u32 s15, $0x3;
	s10 =	sadd.s32 $0x100, s10  }
0xa2: {  	[tilespmem:s22], [sflag:$0x1] =	stream.linear.gather [hbm4b:s10+s2], $0x80, $0x38;
	[tilespmem:$0xC080] =	vst v63  }
0xa3: {  	v0, _, _ =	vpop (xrf0);
	s11 =	smul.u32 $0xC00, s12;
	s10 =	sshll.u32 s15, $0x7  }
0xa4: {  	(v2sf) =	vpush v0, $0xF;
	s10 =	sand.u32 $0x380, s10  }
0xa5: {  	s10 =	sor.u32 s10, s11  }
0xa6: {  	s10 =	sshrl.u32 s10, $0x3  }
0xa7: {  	s10 =	sadd.s32 s3, s10  }
0xa8: {  	[tilespmem:s23], [sflag:$0x1] =	stream.linear.gather [hbm4b:s10+s2], $0x80, $0x38;
	[tilespmem:$0xC080] =	vst v63  }
0xa9: {  	s14 =	spop (v2sf);
	s13 =	sadd.s32 $0x80, s10  }
0xaa: {  	[tilespmem:s24], [sflag:$0x1] =	stream.linear.gather [hbm4b:s13+s2], $0x80, $0x38;
	[tilespmem:$0xC080] =	vst v63  }
0xab: {  	s15 =	sshrl.u32 s14, $0x3;
	s10 =	sadd.s32 $0x100, s10  }
0xac: {  	[tilespmem:s25], [sflag:$0x1] =	stream.linear.gather [hbm4b:s10+s2], $0x80, $0x38;
	[tilespmem:$0xC080] =	vst v63  }
0xad: {  	s11 =	sshll.u32 s14, $0x7;
	s10 =	smul.u32 $0xC00, s15  }
0xae: {  	s11 =	sand.u32 $0x380, s11  }
0xaf: {  	s10 =	sor.u32 s11, s10  }
0xb0: {  	s10 =	sshrl.u32 s10, $0x3  }
0xb1: {  	s10 =	sadd.s32 s3, s10  }
0xb2: {  	[tilespmem:s26], [sflag:$0x1] =	stream.linear.gather [hbm4b:s10+s2], $0x80, $0x38;
	[tilespmem:$0xC080] =	vst v63  }
0xb3: {  	s13 =	spop (v2sf);
	s12 =	sadd.s32 $0x80, s10  }
0xb4: {  	[tilespmem:s28], [sflag:$0x1] =	stream.linear.gather [hbm4b:s12+s2], $0x80, $0x38;
	[tilespmem:$0xC080] =	vst v63  }
0xb5: {  	s14 =	sshrl.u32 s13, $0x3;
	s10 =	sadd.s32 $0x100, s10  }
0xb6: {  	[tilespmem:s29], [sflag:$0x1] =	stream.linear.gather [hbm4b:s10+s2], $0x80, $0x38;
	[tilespmem:$0xC080] =	vst v63  }
0xb7: {  	s11 =	smul.u32 $0xC00, s14;
	s10 =	sshll.u32 s13, $0x7  }
0xb8: {  	s10 =	sand.u32 $0x380, s10  }
0xb9: {  	s10 =	sor.u32 s10, s11  }
0xba: {  	s10 =	sshrl.u32 s10, $0x3  }
0xbb: {  	s10 =	sadd.s32 s3, s10  }
0xbc: {  	[tilespmem:s30], [sflag:$0x1] =	stream.linear.gather [hbm4b:s10+s2], $0x80, $0x38;
	[tilespmem:$0xC080] =	vst v63  }
0xbd: {  	s15 =	sadd.s32 $0x80, s10  }
0xbe: {  	[tilespmem:s31], [sflag:$0x1] =	stream.linear.gather [hbm4b:s15+s2], $0x80, $0x38;
	[tilespmem:$0xC080] =	vst v63  }
0xbf: {  	s10 =	sadd.s32 $0x100, s10  }
0xc0: {  	[tilespmem:s1], [sflag:$0x1] =	stream.linear.gather [hbm4b:s10+s2], $0x80, $0x38;
	[tilespmem:$0xC080] =	vst v63  }
0xc1: {  	s11 =	simm.s32 $0x0;
	s10 =	simm.s32 $0x10  }
.LBB2_2:
0xc2: {  	v0 =	vld [tilespmem:s10+$0x0];
	_ =	sdelay $0x4  }
0xc3: {  	v1 =	vnsel vm0, $0x0, v0  }
0xc4: {  	(xrf0) =	vadd.scan.msk.s32 $0xffff, v1;
	_ =	sdelay $0x5  }
0xc5: {  	v1, _, _ =	vpop (xrf0)  }
0xc6: {  	(v2sf) =	vpush v1, $0xF;
	_ =	sdelay $0x3  }
0xc7: {  	v50 =	vsel vm1, $0x0, v0  }
0xc8: {  	(xrf0) =	vadd.scan.msk.s32 $0xffff, v50;
	_ =	sdelay $0x5  }
0xc9: {  	v1, _, _ =	vpop (xrf0)  }
0xca: {  	(v2sf) =	vpush v1, $0xF;
	_ =	sdelay $0x2  }
0xcb: {  	s12 =	spop (v2sf)  }
0xcc: {  	v51 =	vsel vm2, $0x0, v0;
	s13 =	sshrl.u32 s12, $0x3  }
0xcd: {  	(xrf0) =	vadd.scan.msk.s32 $0xffff, v51;
	s12 =	sshll.u32 s12, $0x7;
	s13 =	smul.u32 $0xC00, s13  }
0xce: {  	s12 =	sand.u32 $0x380, s12  }
0xcf: {  	s12 =	sor.u32 s12, s13  }
0xd0: {  	s13 =	sshrl.u32 s12, $0x3;
	s12 =	sshra.s32 s11, $0x2  }
0xd1: {  	s13 =	sadd.s32 s3, s13;
	s14 =	sadd.s32 $0x1880, s12  }
0xd2: {  	[tilespmem:s14], [sflag:$0x1] =	stream.linear.gather [hbm4b:s13+s2], $0x80, $0x38;
	[tilespmem:$0xC080] =	vst v63  }
0xd3: {  	v1, _, _ =	vpop (xrf0);
	s15 =	sadd.s32 $0x1C80, s12;
	s14 =	sadd.s32 $0x80, s13  }
0xd4: {  	(v2sf) =	vpush v1, $0xF;
	[tilespmem:s15], [sflag:$0x1] =	stream.linear.gather [hbm4b:s14+s2], $0x80, $0x38;
	[tilespmem:$0xC080] =	vst v63  }
0xd5: {  	s13 =	sadd.s32 $0x100, s13;
	s15 =	sadd.s32 $0x2080, s12  }
0xd6: {  	[tilespmem:s15], [sflag:$0x1] =	stream.linear.gather [hbm4b:s13+s2], $0x80, $0x38;
	[tilespmem:$0xC080] =	vst v63  }
0xd7: {  	s13 =	spop (v2sf)  }
0xd8: {  	v52 =	vsel vm3, $0x0, v0;
	s15 =	sshrl.u32 s13, $0x3  }
0xd9: {  	(xrf0) =	vadd.scan.msk.s32 $0xffff, v52;
	s13 =	sshll.u32 s13, $0x7;
	s14 =	smul.u32 $0xC00, s15  }
0xda: {  	s13 =	sand.u32 $0x380, s13  }
0xdb: {  	s13 =	sor.u32 s13, s14  }
0xdc: {  	s13 =	sshrl.u32 s13, $0x3  }
0xdd: {  	s15 =	sadd.s32 $0x1900, s12;
	s13 =	sadd.s32 s3, s13  }
0xde: {  	[tilespmem:s15], [sflag:$0x1] =	stream.linear.gather [hbm4b:s13+s2], $0x80, $0x38;
	[tilespmem:$0xC080] =	vst v63  }
0xdf: {  	v1, _, _ =	vpop (xrf0);
	s14 =	sadd.s32 $0x80, s13;
	s15 =	sadd.s32 $0x1D00, s12  }
0xe0: {  	(v2sf) =	vpush v1, $0xF;
	[tilespmem:s15], [sflag:$0x1] =	stream.linear.gather [hbm4b:s14+s2], $0x80, $0x38;
	[tilespmem:$0xC080] =	vst v63  }
0xe1: {  	s13 =	sadd.s32 $0x100, s13;
	s15 =	sadd.s32 $0x2100, s12  }
0xe2: {  	[tilespmem:s15], [sflag:$0x1] =	stream.linear.gather [hbm4b:s13+s2], $0x80, $0x38;
	[tilespmem:$0xC080] =	vst v63  }
0xe3: {  	s13 =	spop (v2sf)  }
0xe4: {  	v53 =	vsel vm4, $0x0, v0;
	s15 =	sshrl.u32 s13, $0x3  }
0xe5: {  	(xrf0) =	vadd.scan.msk.s32 $0xffff, v53;
	s13 =	sshll.u32 s13, $0x7;
	s14 =	smul.u32 $0xC00, s15  }
0xe6: {  	s13 =	sand.u32 $0x380, s13  }
0xe7: {  	s13 =	sor.u32 s13, s14  }
0xe8: {  	s13 =	sshrl.u32 s13, $0x3  }
0xe9: {  	s15 =	sadd.s32 $0x1980, s12;
	s13 =	sadd.s32 s3, s13  }
0xea: {  	[tilespmem:s15], [sflag:$0x1] =	stream.linear.gather [hbm4b:s13+s2], $0x80, $0x38;
	[tilespmem:$0xC080] =	vst v63  }
0xeb: {  	v1, _, _ =	vpop (xrf0);
	s14 =	sadd.s32 $0x80, s13;
	s15 =	sadd.s32 $0x1D80, s12  }
0xec: {  	(v2sf) =	vpush v1, $0xF;
	[tilespmem:s15], [sflag:$0x1] =	stream.linear.gather [hbm4b:s14+s2], $0x80, $0x38;
	[tilespmem:$0xC080] =	vst v63  }
0xed: {  	s13 =	sadd.s32 $0x100, s13;
	s15 =	sadd.s32 $0x2180, s12  }
0xee: {  	[tilespmem:s15], [sflag:$0x1] =	stream.linear.gather [hbm4b:s13+s2], $0x80, $0x38;
	[tilespmem:$0xC080] =	vst v63  }
0xef: {  	s13 =	spop (v2sf)  }
0xf0: {  	v54 =	vsel vm5, $0x0, v0;
	s15 =	sshrl.u32 s13, $0x3  }
0xf1: {  	(xrf0) =	vadd.scan.msk.s32 $0xffff, v54;
	s13 =	sshll.u32 s13, $0x7;
	s14 =	smul.u32 $0xC00, s15  }
0xf2: {  	s13 =	sand.u32 $0x380, s13  }
0xf3: {  	s13 =	sor.u32 s13, s14  }
0xf4: {  	s13 =	sshrl.u32 s13, $0x3  }
0xf5: {  	s15 =	sadd.s32 $0x1A00, s12;
	s13 =	sadd.s32 s3, s13  }
0xf6: {  	[tilespmem:s15], [sflag:$0x1] =	stream.linear.gather [hbm4b:s13+s2], $0x80, $0x38;
	[tilespmem:$0xC080] =	vst v63  }
0xf7: {  	v1, _, _ =	vpop (xrf0);
	s14 =	sadd.s32 $0x80, s13;
	s15 =	sadd.s32 $0x1E00, s12  }
0xf8: {  	(v2sf) =	vpush v1, $0xF;
	[tilespmem:s15], [sflag:$0x1] =	stream.linear.gather [hbm4b:s14+s2], $0x80, $0x38;
	[tilespmem:$0xC080] =	vst v63  }
0xf9: {  	s13 =	sadd.s32 $0x100, s13;
	s15 =	sadd.s32 $0x2200, s12  }
0xfa: {  	[tilespmem:s15], [sflag:$0x1] =	stream.linear.gather [hbm4b:s13+s2], $0x80, $0x38;
	[tilespmem:$0xC080] =	vst v63  }
0xfb: {  	s13 =	spop (v2sf)  }
0xfc: {  	v55 =	vsel vm6, $0x0, v0;
	s15 =	sshrl.u32 s13, $0x3  }
0xfd: {  	(xrf0) =	vadd.scan.msk.s32 $0xffff, v55;
	s13 =	sshll.u32 s13, $0x7;
	s14 =	smul.u32 $0xC00, s15  }
0xfe: {  	s13 =	sand.u32 $0x380, s13  }
0xff: {  	s13 =	sor.u32 s13, s14  }
0x100: {  	s13 =	sshrl.u32 s13, $0x3  }
0x101: {  	s15 =	sadd.s32 $0x1A80, s12;
	s13 =	sadd.s32 s3, s13  }
0x102: {  	[tilespmem:s15], [sflag:$0x1] =	stream.linear.gather [hbm4b:s13+s2], $0x80, $0x38;
	[tilespmem:$0xC080] =	vst v63  }
0x103: {  	v1, _, _ =	vpop (xrf0);
	s14 =	sadd.s32 $0x80, s13;
	s15 =	sadd.s32 $0x1E80, s12  }
0x104: {  	(v2sf) =	vpush v1, $0xF;
	[tilespmem:s15], [sflag:$0x1] =	stream.linear.gather [hbm4b:s14+s2], $0x80, $0x38;
	[tilespmem:$0xC080] =	vst v63  }
0x105: {  	s13 =	sadd.s32 $0x100, s13;
	s15 =	sadd.s32 $0x2280, s12  }
0x106: {  	[tilespmem:s15], [sflag:$0x1] =	stream.linear.gather [hbm4b:s13+s2], $0x80, $0x38;
	[tilespmem:$0xC080] =	vst v63  }
0x107: {  	s13 =	spop (v2sf)  }
0x108: {  	v56 =	vsel vm7, $0x0, v0;
	s15 =	sshrl.u32 s13, $0x3  }
0x109: {  	(xrf0) =	vadd.scan.msk.s32 $0xffff, v56;
	s13 =	sshll.u32 s13, $0x7;
	s14 =	smul.u32 $0xC00, s15  }
0x10a: {  	s13 =	sand.u32 $0x380, s13  }
0x10b: {  	s13 =	sor.u32 s13, s14  }
0x10c: {  	s13 =	sshrl.u32 s13, $0x3  }
0x10d: {  	s15 =	sadd.s32 $0x1B00, s12;
	s13 =	sadd.s32 s3, s13  }
0x10e: {  	[tilespmem:s15], [sflag:$0x1] =	stream.linear.gather [hbm4b:s13+s2], $0x80, $0x38;
	[tilespmem:$0xC080] =	vst v63  }
0x10f: {  	v1, _, _ =	vpop (xrf0);
	s14 =	sadd.s32 $0x80, s13;
	s15 =	sadd.s32 $0x1F00, s12  }
0x110: {  	(v2sf) =	vpush v1, $0xF;
	[tilespmem:s15], [sflag:$0x1] =	stream.linear.gather [hbm4b:s14+s2], $0x80, $0x38;
	[tilespmem:$0xC080] =	vst v63  }
0x111: {  	s13 =	sadd.s32 $0x100, s13;
	s15 =	sadd.s32 $0x2300, s12  }
0x112: {  	[tilespmem:s15], [sflag:$0x1] =	stream.linear.gather [hbm4b:s13+s2], $0x80, $0x38;
	[tilespmem:$0xC080] =	vst v63  }
0x113: {  	s13 =	spop (v2sf)  }
0x114: {  	v57 =	vsel vm8, $0x0, v0;
	s15 =	sshrl.u32 s13, $0x3  }
0x115: {  	(xrf0) =	vadd.scan.msk.s32 $0xffff, v57;
	s13 =	sshll.u32 s13, $0x7;
	s14 =	smul.u32 $0xC00, s15  }
0x116: {  	s13 =	sand.u32 $0x380, s13  }
0x117: {  	s13 =	sor.u32 s13, s14  }
0x118: {  	s13 =	sshrl.u32 s13, $0x3  }
0x119: {  	s15 =	sadd.s32 $0x1B80, s12;
	s13 =	sadd.s32 s3, s13  }
0x11a: {  	[tilespmem:s15], [sflag:$0x1] =	stream.linear.gather [hbm4b:s13+s2], $0x80, $0x38;
	[tilespmem:$0xC080] =	vst v63  }
0x11b: {  	v1, _, _ =	vpop (xrf0);
	s14 =	sadd.s32 $0x80, s13;
	s15 =	sadd.s32 $0x1F80, s12  }
0x11c: {  	(v2sf) =	vpush v1, $0xF;
	[tilespmem:s15], [sflag:$0x1] =	stream.linear.gather [hbm4b:s14+s2], $0x80, $0x38;
	[tilespmem:$0xC080] =	vst v63  }
0x11d: {  	s13 =	sadd.s32 $0x100, s13;
	s15 =	sadd.s32 $0x2380, s12  }
0x11e: {  	[tilespmem:s15], [sflag:$0x1] =	stream.linear.gather [hbm4b:s13+s2], $0x80, $0x38;
	[tilespmem:$0xC080] =	vst v63  }
0x11f: {  	s13 =	spop (v2sf)  }
0x120: {  	v58 =	vsel vm9, $0x0, v0;
	s15 =	sshrl.u32 s13, $0x3  }
0x121: {  	(xrf0) =	vadd.scan.msk.s32 $0xffff, v58;
	s13 =	sshll.u32 s13, $0x7;
	s14 =	smul.u32 $0xC00, s15  }
0x122: {  	s13 =	sand.u32 $0x380, s13  }
0x123: {  	s13 =	sor.u32 s13, s14  }
0x124: {  	s13 =	sshrl.u32 s13, $0x3  }
0x125: {  	s15 =	sadd.s32 $0x1C00, s12;
	s13 =	sadd.s32 s3, s13  }
0x126: {  	[tilespmem:s15], [sflag:$0x1] =	stream.linear.gather [hbm4b:s13+s2], $0x80, $0x38;
	[tilespmem:$0xC080] =	vst v63  }
0x127: {  	v1, _, _ =	vpop (xrf0);
	s14 =	sadd.s32 $0x80, s13;
	s15 =	sadd.s32 $0x2000, s12  }
0x128: {  	(v2sf) =	vpush v1, $0xF;
	[tilespmem:s15], [sflag:$0x1] =	stream.linear.gather [hbm4b:s14+s2], $0x80, $0x38;
	[tilespmem:$0xC080] =	vst v63  }
0x129: {  	s13 =	sadd.s32 $0x100, s13;
	s15 =	sadd.s32 $0x2400, s12  }
0x12a: {  	[tilespmem:s15], [sflag:$0x1] =	stream.linear.gather [hbm4b:s13+s2], $0x80, $0x38;
	[tilespmem:$0xC080] =	vst v63  }
0x12b: {  	s13 =	spop (v2sf)  }
0x12c: {  	v59 =	vsel vm10, $0x0, v0;
	s15 =	sshrl.u32 s13, $0x3  }
0x12d: {  	(xrf0) =	vadd.scan.msk.s32 $0xffff, v59;
	s13 =	sshll.u32 s13, $0x7;
	s14 =	smul.u32 $0xC00, s15  }
0x12e: {  	s13 =	sand.u32 $0x380, s13  }
0x12f: {  	s13 =	sor.u32 s13, s14  }
0x130: {  	s13 =	sshrl.u32 s13, $0x3  }
0x131: {  	s15 =	sadd.s32 $0x2480, s12;
	s13 =	sadd.s32 s3, s13  }
0x132: {  	[tilespmem:s15], [sflag:$0x1] =	stream.linear.gather [hbm4b:s13+s2], $0x80, $0x38;
	[tilespmem:$0xC080] =	vst v63  }
0x133: {  	v1, _, _ =	vpop (xrf0);
	s14 =	sadd.s32 $0x80, s13;
	s15 =	sadd.s32 $0x2880, s12  }
0x134: {  	(v2sf) =	vpush v1, $0xF;
	[tilespmem:s15], [sflag:$0x1] =	stream.linear.gather [hbm4b:s14+s2], $0x80, $0x38;
	[tilespmem:$0xC080] =	vst v63  }
0x135: {  	s13 =	sadd.s32 $0x100, s13;
	s15 =	sadd.s32 $0x2C80, s12  }
0x136: {  	[tilespmem:s15], [sflag:$0x1] =	stream.linear.gather [hbm4b:s13+s2], $0x80, $0x38;
	[tilespmem:$0xC080] =	vst v63  }
0x137: {  	s13 =	spop (v2sf)  }
0x138: {  	v60 =	vsel vm11, $0x0, v0;
	s15 =	sshrl.u32 s13, $0x3  }
0x139: {  	(xrf0) =	vadd.scan.msk.s32 $0xffff, v60;
	s13 =	sshll.u32 s13, $0x7;
	s14 =	smul.u32 $0xC00, s15  }
0x13a: {  	s13 =	sand.u32 $0x380, s13  }
0x13b: {  	s13 =	sor.u32 s13, s14  }
0x13c: {  	s13 =	sshrl.u32 s13, $0x3  }
0x13d: {  	s15 =	sadd.s32 $0x2500, s12;
	s13 =	sadd.s32 s3, s13  }
0x13e: {  	[tilespmem:s15], [sflag:$0x1] =	stream.linear.gather [hbm4b:s13+s2], $0x80, $0x38;
	[tilespmem:$0xC080] =	vst v63  }
0x13f: {  	v1, _, _ =	vpop (xrf0);
	s14 =	sadd.s32 $0x80, s13;
	s15 =	sadd.s32 $0x2900, s12  }
0x140: {  	(v2sf) =	vpush v1, $0xF;
	[tilespmem:s15], [sflag:$0x1] =	stream.linear.gather [hbm4b:s14+s2], $0x80, $0x38;
	[tilespmem:$0xC080] =	vst v63  }
0x141: {  	s13 =	sadd.s32 $0x100, s13;
	s15 =	sadd.s32 $0x2D00, s12  }
0x142: {  	[tilespmem:s15], [sflag:$0x1] =	stream.linear.gather [hbm4b:s13+s2], $0x80, $0x38;
	[tilespmem:$0xC080] =	vst v63  }
0x143: {  	s13 =	spop (v2sf)  }
0x144: {  	v61 =	vsel vm12, $0x0, v0;
	s15 =	sshrl.u32 s13, $0x3  }
0x145: {  	(xrf0) =	vadd.scan.msk.s32 $0xffff, v61;
	s13 =	sshll.u32 s13, $0x7;
	s14 =	smul.u32 $0xC00, s15  }
0x146: {  	s13 =	sand.u32 $0x380, s13  }
0x147: {  	s13 =	sor.u32 s13, s14  }
0x148: {  	s13 =	sshrl.u32 s13, $0x3  }
0x149: {  	s15 =	sadd.s32 $0x2580, s12;
	s13 =	sadd.s32 s3, s13  }
0x14a: {  	[tilespmem:s15], [sflag:$0x1] =	stream.linear.gather [hbm4b:s13+s2], $0x80, $0x38;
	[tilespmem:$0xC080] =	vst v63  }
0x14b: {  	v1, _, _ =	vpop (xrf0);
	s14 =	sadd.s32 $0x80, s13;
	s15 =	sadd.s32 $0x2980, s12  }
0x14c: {  	(v2sf) =	vpush v1, $0xF;
	[tilespmem:s15], [sflag:$0x1] =	stream.linear.gather [hbm4b:s14+s2], $0x80, $0x38;
	[tilespmem:$0xC080] =	vst v63  }
0x14d: {  	s13 =	sadd.s32 $0x100, s13;
	s15 =	sadd.s32 $0x2D80, s12  }
0x14e: {  	[tilespmem:s15], [sflag:$0x1] =	stream.linear.gather [hbm4b:s13+s2], $0x80, $0x38;
	[tilespmem:$0xC080] =	vst v63  }
0x14f: {  	s13 =	spop (v2sf)  }
0x150: {  	v62 =	vsel vm13, $0x0, v0;
	s15 =	sshrl.u32 s13, $0x3  }
0x151: {  	(xrf0) =	vadd.scan.msk.s32 $0xffff, v62;
	s13 =	sshll.u32 s13, $0x7;
	s14 =	smul.u32 $0xC00, s15  }
0x152: {  	s13 =	sand.u32 $0x380, s13  }
0x153: {  	s13 =	sor.u32 s13, s14  }
0x154: {  	s13 =	sshrl.u32 s13, $0x3  }
0x155: {  	s15 =	sadd.s32 $0x2600, s12;
	s13 =	sadd.s32 s3, s13  }
0x156: {  	[tilespmem:s15], [sflag:$0x1] =	stream.linear.gather [hbm4b:s13+s2], $0x80, $0x38;
	[tilespmem:$0xC080] =	vst v63  }
0x157: {  	v1, _, _ =	vpop (xrf0);
	s14 =	sadd.s32 $0x80, s13;
	s15 =	sadd.s32 $0x2A00, s12  }
0x158: {  	(v2sf) =	vpush v1, $0xF;
	[tilespmem:s15], [sflag:$0x1] =	stream.linear.gather [hbm4b:s14+s2], $0x80, $0x38;
	[tilespmem:$0xC080] =	vst v63  }
0x159: {  	s13 =	sadd.s32 $0x100, s13;
	s15 =	sadd.s32 $0x2E00, s12  }
0x15a: {  	v63 =	vsel vm14, $0x0, v0;
	[tilespmem:s15], [sflag:$0x1] =	stream.linear.gather [hbm4b:s13+s2], $0x80, $0x38;
	[tilespmem:$0xC080] =	vst v63  }
0x15b: {  	(xrf0) =	vadd.scan.msk.s32 $0xffff, v63;
	s13 =	spop (v2sf)  }
0x15c: {  	s15 =	sshrl.u32 s13, $0x3  }
0x15d: {  	s13 =	sshll.u32 s13, $0x7;
	s14 =	smul.u32 $0xC00, s15  }
0x15e: {  	s13 =	sand.u32 $0x380, s13  }
0x15f: {  	s13 =	sor.u32 s13, s14  }
0x160: {  	s13 =	sshrl.u32 s13, $0x3  }
0x161: {  	v1, _, _ =	vpop (xrf0);
	s15 =	sadd.s32 $0x2680, s12;
	s13 =	sadd.s32 s3, s13  }
0x162: {  	(v2sf) =	vpush v1, $0xF;
	[tilespmem:s15], [sflag:$0x1] =	stream.linear.gather [hbm4b:s13+s2], $0x80, $0x38;
	[tilespmem:$0xC080] =	vst v63  }
0x163: {  	s14 =	sadd.s32 $0x80, s13;
	s15 =	sadd.s32 $0x2A80, s12  }
0x164: {  	[tilespmem:s15], [sflag:$0x1] =	stream.linear.gather [hbm4b:s14+s2], $0x80, $0x38;
	[tilespmem:$0xC080] =	vst v63  }
0x165: {  	s13 =	sadd.s32 $0x100, s13;
	s15 =	sadd.s32 $0x2E80, s12  }
0x166: {  	[tilespmem:s15], [sflag:$0x1] =	stream.linear.gather [hbm4b:s13+s2], $0x80, $0x38;
	[tilespmem:$0xC080] =	vst v63  }
0x167: {  	v0 =	vsel vm15, $0x0, v0;
	s13 =	spop (v2sf)  }
0x168: {  	(xrf0) =	vadd.scan.msk.s32 $0xffff, v0;
	s15 =	sshrl.u32 s13, $0x3  }
0x169: {  	s13 =	sshll.u32 s13, $0x7;
	s14 =	smul.u32 $0xC00, s15  }
0x16a: {  	s13 =	sand.u32 $0x380, s13  }
0x16b: {  	s13 =	sor.u32 s13, s14  }
0x16c: {  	s13 =	sshrl.u32 s13, $0x3  }
0x16d: {  	s15 =	sadd.s32 $0x2700, s12;
	s13 =	sadd.s32 s3, s13  }
0x16e: {  	v0, _, _ =	vpop (xrf0);
	[tilespmem:s15], [sflag:$0x1] =	stream.linear.gather [hbm4b:s13+s2], $0x80, $0x38;
	[tilespmem:$0xC080] =	vst v63  }
0x16f: {  	(v2sf) =	vpush v0, $0xF;
	s14 =	sadd.s32 $0x80, s13;
	s15 =	sadd.s32 $0x2B00, s12  }
0x170: {  	[tilespmem:s15], [sflag:$0x1] =	stream.linear.gather [hbm4b:s14+s2], $0x80, $0x38;
	[tilespmem:$0xC080] =	vst v63  }
0x171: {  	s13 =	sadd.s32 $0x100, s13;
	s14 =	spop (v2sf);
	s15 =	sadd.s32 $0x2F00, s12  }
0x172: {  	[tilespmem:s15], [sflag:$0x1] =	stream.linear.gather [hbm4b:s13+s2], $0x80, $0x38;
	[tilespmem:$0xC080] =	vst v63  }
0x173: {  	s15 =	sshrl.u32 s14, $0x3  }
0x174: {  	s14 =	sshll.u32 s14, $0x7;
	s13 =	smul.u32 $0xC00, s15  }
0x175: {  	s14 =	sand.u32 $0x380, s14  }
0x176: {  	s13 =	sor.u32 s14, s13  }
0x177: {  	s13 =	sshrl.u32 s13, $0x3  }
0x178: {  	s15 =	sadd.s32 $0x2780, s12;
	s13 =	sadd.s32 s3, s13  }
0x179: {  	[tilespmem:s15], [sflag:$0x1] =	stream.linear.gather [hbm4b:s13+s2], $0x80, $0x38;
	[tilespmem:$0xC080] =	vst v63  }
0x17a: {  	s14 =	sadd.s32 $0x80, s13;
	s15 =	sadd.s32 $0x2B80, s12  }
0x17b: {  	[tilespmem:s15], [sflag:$0x1] =	stream.linear.gather [hbm4b:s14+s2], $0x80, $0x38;
	[tilespmem:$0xC080] =	vst v63  }
0x17c: {  	s13 =	sadd.s32 $0x100, s13;
	s15 =	sadd.s32 $0x2F80, s12  }
0x17d: {  	[tilespmem:s15], [sflag:$0x1] =	stream.linear.gather [hbm4b:s13+s2], $0x80, $0x38;
	[tilespmem:$0xC080] =	vst v63  }
0x17e: {  	s13 =	spop (v2sf)  }
0x17f: {  	s15 =	sshrl.u32 s13, $0x3  }
0x180: {  	s13 =	sshll.u32 s13, $0x7;
	s14 =	smul.u32 $0xC00, s15  }
0x181: {  	s13 =	sand.u32 $0x380, s13  }
0x182: {  	s13 =	sor.u32 s13, s14  }
0x183: {  	s13 =	sshrl.u32 s13, $0x3  }
0x184: {  	s15 =	sadd.s32 $0x2800, s12;
	s13 =	sadd.s32 s3, s13  }
0x185: {  	[tilespmem:s15], [sflag:$0x1] =	stream.linear.gather [hbm4b:s13+s2], $0x80, $0x38;
	[tilespmem:$0xC080] =	vst v63  }
0x186: {  	s14 =	sadd.s32 $0x80, s13;
	s15 =	sadd.s32 $0x2C00, s12  }
0x187: {  	[tilespmem:s15], [sflag:$0x1] =	stream.linear.gather [hbm4b:s14+s2], $0x80, $0x38;
	[tilespmem:$0xC080] =	vst v63  }
0x188: {  	s13 =	sadd.s32 $0x100, s13;
	s12 =	sadd.s32 $0x3000, s12  }
0x189: {  	[tilespmem:s12], [sflag:$0x1] =	stream.linear.gather [hbm4b:s13+s2], $0x80, $0x38;
	[tilespmem:$0xC080] =	vst v63  }
0x18a: {  	_ =	swait.ge [sflag:s0], $0x180  }
0x18b: {  	[sflag:s0] =	ssyncset.done $0x0  }
0x18c: {  	[sflag:s0] =	ssyncadd.s32 $0xFFFFFE80  }
0x18d: {  	_ =	swait.ge [sflag:s0], $0x180  }
0x18e: {  	[sflag:s0] =	ssyncset.done $0x0  }
0x18f: {  	[sflag:s0] =	ssyncadd.s32 $0xFFFFFE80  }
0x190: {  	_ =	swait.ge [sflag:s0], $0x180  }
0x191: {  	[sflag:s0] =	ssyncset.done $0x0  }
0x192: {  	[sflag:s0] =	ssyncadd.s32 $0xFFFFFE80  }
0x193: {  	_ =	swait.ge [sflag:s0], $0x180  }
0x194: {  	[sflag:s0] =	ssyncset.done $0x0  }
0x195: {  	[sflag:s0] =	ssyncadd.s32 $0xFFFFFE80  }
0x196: {  	_ =	swait.ge [sflag:s0], $0x180  }
0x197: {  	[sflag:s0] =	ssyncset.done $0x0  }
0x198: {  	[sflag:s0] =	ssyncadd.s32 $0xFFFFFE80  }
0x199: {  	_ =	swait.ge [sflag:s0], $0x180  }
0x19a: {  	[sflag:s0] =	ssyncset.done $0x0  }
0x19b: {  	[sflag:s0] =	ssyncadd.s32 $0xFFFFFE80  }
0x19c: {  	_ =	swait.ge [sflag:s0], $0x180  }
0x19d: {  	[sflag:s0] =	ssyncset.done $0x0  }
0x19e: {  	[sflag:s0] =	ssyncadd.s32 $0xFFFFFE80  }
0x19f: {  	_ =	swait.ge [sflag:s0], $0x180  }
0x1a0: {  	[sflag:s0] =	ssyncset.done $0x0  }
0x1a1: {  	[sflag:s0] =	ssyncadd.s32 $0xFFFFFE80  }
0x1a2: {  	_ =	swait.ge [sflag:s0], $0x180  }
0x1a3: {  	[sflag:s0] =	ssyncset.done $0x0  }
0x1a4: {  	[sflag:s0] =	ssyncadd.s32 $0xFFFFFE80  }
0x1a5: {  	_ =	swait.ge [sflag:s0], $0x180  }
0x1a6: {  	[sflag:s0] =	ssyncset.done $0x0  }
0x1a7: {  	[sflag:s0] =	ssyncadd.s32 $0xFFFFFE80  }
0x1a8: {  	_ =	swait.ge [sflag:s0], $0x180  }
0x1a9: {  	[sflag:s0] =	ssyncset.done $0x0  }
0x1aa: {  	[sflag:s0] =	ssyncadd.s32 $0xFFFFFE80  }
0x1ab: {  	_ =	swait.ge [sflag:s0], $0x180  }
0x1ac: {  	[sflag:s0] =	ssyncset.done $0x0  }
0x1ad: {  	[sflag:s0] =	ssyncadd.s32 $0xFFFFFE80  }
0x1ae: {  	_ =	swait.ge [sflag:s0], $0x180  }
0x1af: {  	[sflag:s0] =	ssyncset.done $0x0  }
0x1b0: {  	[sflag:s0] =	ssyncadd.s32 $0xFFFFFE80  }
0x1b1: {  	_ =	swait.ge [sflag:s0], $0x180  }
0x1b2: {  	[sflag:s0] =	ssyncset.done $0x0  }
0x1b3: {  	[sflag:s0] =	ssyncadd.s32 $0xFFFFFE80  }
0x1b4: {  	p0 =	sne.s32 s11, $0x24000;
	_ =	swait.ge [sflag:s0], $0x180  }
.Ltmp0:
0x1b5: {  	[sflag:s0] =	ssyncset.done $0x0;
	(pc) =	sbr.rel @p0 .LBB2_2-.Ltmp0, $4  }
0x1b6: {  	[sflag:s0] =	ssyncadd.s32 $0xFFFFFE80  }
0x1b7: {  	_ =	swait.ge [sflag:s0], $0x180  }
0x1b8: {  	[sflag:s0] =	ssyncset.done $0x0  }
0x1b9: {  	s10 =	sadd.s32 $0x10, s10;
	s11 =	sadd.s32 $0x6000, s11;
	[sflag:s0] =	ssyncadd.s32 $0xFFFFFE80  }
0x1ba: {  	_ =	swait.ge [sflag:s0], $0x180  }
0x1bb: {  	[sflag:s0] =	ssyncset.done $0x0  }
0x1bc: {  	[sflag:s0] =	ssyncadd.s32 $0xFFFFFE80  }
0x1bd: {  	_ =	swait.ge [sflag:s0], $0x180  }
0x1be: {  	[sflag:s0] =	ssyncset.done $0x0  }
0x1bf: {  	[sflag:s0] =	ssyncadd.s32 $0xFFFFFE80  }
0x1c0: {  	_ =	swait.ge [sflag:s0], $0x180  }
0x1c1: {  	[sflag:s0] =	ssyncset.done $0x0  }
0x1c2: {  	[sflag:s0] =	ssyncadd.s32 $0xFFFFFE80  }
0x1c3: {  	_ =	swait.ge [sflag:s0], $0x180  }
0x1c4: {  	[sflag:s0] =	ssyncset.done $0x0  }
0x1c5: {  	[sflag:s0] =	ssyncadd.s32 $0xFFFFFE80  }
0x1c6: {  	_ =	swait.ge [sflag:s0], $0x180  }
0x1c7: {  	[sflag:s0] =	ssyncset.done $0x0  }
0x1c8: {  	[sflag:s0] =	ssyncadd.s32 $0xFFFFFE80  }
0x1c9: {  	_ =	swait.ge [sflag:s0], $0x180  }
0x1ca: {  	[sflag:s0] =	ssyncset.done $0x0  }
0x1cb: {  	[sflag:s0] =	ssyncadd.s32 $0xFFFFFE80  }
0x1cc: {  	_ =	swait.ge [sflag:s0], $0x180  }
0x1cd: {  	[sflag:s0] =	ssyncset.done $0x0  }
0x1ce: {  	[sflag:s0] =	ssyncadd.s32 $0xFFFFFE80  }
0x1cf: {  	_ =	swait.ge [sflag:s0], $0x180  }
0x1d0: {  	[sflag:s0] =	ssyncset.done $0x0  }
0x1d1: {  	[sflag:s0] =	ssyncadd.s32 $0xFFFFFE80  }
0x1d2: {  	_ =	swait.ge [sflag:s0], $0x180  }
0x1d3: {  	[sflag:s0] =	ssyncset.done $0x0  }
0x1d4: {  	[sflag:s0] =	ssyncadd.s32 $0xFFFFFE80  }
0x1d5: {  	_ =	swait.ge [sflag:s0], $0x180  }
0x1d6: {  	[sflag:s0] =	ssyncset.done $0x0  }
0x1d7: {  	[sflag:s0] =	ssyncadd.s32 $0xFFFFFE80  }
0x1d8: {  	_ =	swait.ge [sflag:s0], $0x180  }
0x1d9: {  	[sflag:s0] =	ssyncset.done $0x0  }
0x1da: {  	[sflag:s0] =	ssyncadd.s32 $0xFFFFFE80  }
0x1db: {  	_ =	swait.ge [sflag:s0], $0x180  }
0x1dc: {  	[sflag:s0] =	ssyncset.done $0x0  }
0x1dd: {  	[sflag:s0] =	ssyncadd.s32 $0xFFFFFE80  }
0x1de: {  	_ =	swait.ge [sflag:s0], $0x180  }
0x1df: {  	[sflag:s0] =	ssyncset.done $0x0  }
0x1e0: {  	[sflag:s0] =	ssyncadd.s32 $0xFFFFFE80  }
0x1e1: {  	_ =	swait.ge [sflag:s0], $0x180  }
0x1e2: {  	[sflag:s0] =	ssyncset.done $0x0  }
0x1e3: {  	[sflag:s0] =	ssyncadd.s32 $0xFFFFFE80  }
0x1e4: {  	_ =	swait.ge [sflag:s0], $0x180  }
0x1e5: {  	[sflag:s0] =	ssyncset.done $0x0  }
0x1e6: {  	[sflag:s0] =	ssyncadd.s32 $0xFFFFFE80  }
0x1e7: {  	s9 =	sadd.s32 $0x1, s9;
	_ =	swait.ge [sflag:s0], $0x180  }
0x1e8: {  	p0 =	sne.s32 s9, s6;
	[sflag:s0] =	ssyncset.done $0x0  }
.Ltmp1:
0x1e9: {  	[sflag:s0] =	ssyncadd.s32 $0xFFFFFE80;
	(pc) =	sbr.rel @p0 .LBB2_1-.Ltmp1, $4  }
0x1ea: {  	[hbm4b:s5+s2] =	stream.linear.scatter [tilespmem:s8], [sflag:$0x2], $0xC000, $0x38;
	[tilespmem:$0xC080] =	vst v63  }
0x1eb: {  	_ =	swait.ge [sflag:s7], $0xC000  }
0x1ec: {  	[sflag:s7] =	ssyncset.done $0x0  }
0x1ed: {  	[sflag:s7] =	ssyncadd.s32 $0xFFFF4000  }
0x1ee: {  	_ =	sfence.sel $0x180000  }
0x1ef: {  	[bflag:$0x0] =	sbarrier.arrive $0xFFFF  }
0x1f0: {  	_ =	strace $0x90000047  }
0x1f1: {  	s0 =	stileid.u32;
	[bflag:$0x2] =	sbarrier.arrive $0xFFFF  }
0x1f2: {  	p0 =	sne.s32 s0, $0x0;
	s0 =	rddreg [dreg:$0x2]  }
0x1f3: {  	s0 =	sadd.s32 @!p0 $0x100000, s0  }
0x1f4: {  	[sflag:s0] =	ssyncadd.tile.s32 @!p0 $0x1;
	_ =	shalt  }
.Lfunc_end2:
_tile_overlayer_lowered:
.L_overlay_start_2:
0x1f5: {  	(tag) =	ssettag $0x2  }
0x1f6: {  	s0 =	rddreg [dreg:$0x0];
	s2 =	stileid.u32  }
0x1f7: {  	s1 =	rddreg [dreg:$0x1];
	p0 =	sne.s32 s2, $0x0  }
0x1f8: {  	s3 =	rddreg [dreg:$0x2];
	[bflag:$0x3] =	sbarrier.arrive $0xFFFF;
	s2 =	simm.s32 @!p0 $0x1C02  }
0x1f9: {  	[timem:s3], [sflag:s2] =	dma.local @!p0 [hbm:s0], s1  }
0x1fa: {  	s0 =	simm.s32 @!p0 $0x2  }
0x1fb: {  	_ =	swait.ge @!p0 [sflag:s0], s1  }
0x1fc: {  	s1 =	ssub.s32 @!p0 $0x0, s1;
	[sflag:s0] =	ssyncset.done @!p0 $0x0  }
0x1fd: {  	[sflag:s0] =	ssyncadd.s32 @!p0 s1  }
0x1fe: {  	[bflag:$0x3] =	sbarrier.arrive $0xFFFF  }
0x1ff: {  	_ =	shalt  }

</sc_bundles>
